<compile_context>
chip_gen: v7x
topology: tpu7x:2x2x1
jax: 0.10.2.dev20260603
libtpu: 0.0.44.dev20260713+nightly
codegen_flags: <defaults>
</compile_context>

<pallas_src>
import functools

import jax
import jax.numpy as jnp
from jax import lax
from jax.experimental import pallas as pl
from jax.experimental.pallas import tpu as pltpu
from jax.experimental.pallas import tpu_sc as plsc

_ROWS = 2
_NBUF = 2


@functools.lru_cache(maxsize=None)
def _build(batch, seq, vocab, dim, n_workers):
    rows_per_w = batch // n_workers
    n_chunks = rows_per_w // _ROWS
    n_outer = n_chunks // _NBUF
    sub = max(d for d in range(8, 129, 8) if seq % d == 0)
    n_sub = seq // sub
    mesh = plsc.VectorSubcoreMesh(core_axis_name="c", subcore_axis_name="s")
    info = plsc.get_sparse_core_info()
    num_cores = info.num_cores

    @functools.partial(
        pl.kernel,
        mesh=mesh,
        compiler_params=pltpu.CompilerParams(use_tc_tiling_on_sc=False),
        out_type=jax.ShapeDtypeStruct((batch, seq, 128), jnp.float32),
        scratch_types=[
            pltpu.VMEM((_NBUF, _ROWS, seq), jnp.int32),
            pltpu.VMEM((_NBUF, _ROWS, seq, 128), jnp.float32),
            pltpu.VMEM((seq, dim), jnp.float32),
            pltpu.SemaphoreType.DMA,
            pltpu.SemaphoreType.DMA,
            pltpu.SemaphoreType.DMA,
            pltpu.SemaphoreType.DMA,
        ],
    )
    def emb(table_hbm, idx_hbm, pos_hbm, out_hbm, idx_v, rows_v, pos_v,
            gsem0, gsem1, ssem0, ssem1):
        gsem = (gsem0, gsem1)
        ssem = (ssem0, ssem1)
        wid = lax.axis_index("s") * num_cores + lax.axis_index("c")
        row_base = wid * rows_per_w
        pltpu.sync_copy(pos_hbm, pos_v)

        def out_slice(chunk_id, i):
            return out_hbm.at[row_base + chunk_id * _ROWS + i, :,
                              pl.ds(0, dim)]

        def stage(chunk_id, b):
            pltpu.sync_copy(
                idx_hbm.at[pl.ds(row_base + chunk_id * _ROWS, _ROWS)],
                idx_v.at[b])

            @plsc.parallel_loop(0, seq, 1, unroll=8)
            def _prefill(r):
                for i in range(_ROWS):
                    for cc in range(dim // 16):
                        sl = pl.ds(cc * 16, 16)
                        rows_v[b, i, r, sl] = pos_v[r, sl]

            for i in range(_ROWS):
                for j in range(n_sub):
                    pltpu.async_copy(
                        table_hbm.at[idx_v.at[b, i, pl.ds(j * sub, sub)]],
                        rows_v.at[b, i, pl.ds(j * sub, sub)],
                        gsem[b],
                        add=True,
                    )

        def wait_gathers(chunk_id, b):
            pltpu.make_async_copy(
                out_hbm.at[pl.ds(row_base + chunk_id * _ROWS, _ROWS)],
                rows_v.at[b], gsem[b]).wait()

        def fire_scatter(chunk_id, b):
            for i in range(_ROWS):
                pltpu.async_copy(rows_v.at[b, i, :, pl.ds(0, dim)],
                                 out_slice(chunk_id, i), ssem[b])

        def wait_scatter(chunk_id, b):
            for i in range(_ROWS):
                pltpu.make_async_copy(rows_v.at[b, i, :, pl.ds(0, dim)],
                                      out_slice(chunk_id, i), ssem[b]).wait()

        def outer(g, carry):
            for b in range(_NBUF):
                cid = g * _NBUF + b
                @pl.when(g >= 1)
                def _():
                    wait_scatter(cid - _NBUF, b)

                stage(cid, b)

                o = 1 - b
                pcid = cid - 1

                @pl.when(cid >= 1)
                def _():
                    wait_gathers(pcid, o)
                    fire_scatter(pcid, o)

            return carry

        lax.fori_loop(0, n_outer, outer, 0)

        last = n_chunks - 1
        bl = last % _NBUF
        wait_gathers(last, bl)
        fire_scatter(last, bl)
        wait_scatter(last - 1, 1 - bl)
        wait_scatter(last, bl)

    return emb


def kernel(input_ids, table, pos_encoding):
    b, s = input_ids.shape
    v, d = table.shape
    emb = _build(b, s, v, d, 32)
    out = emb(jnp.pad(table, ((0, 0), (0, 128 - d))),
              input_ids.astype(jnp.int32), pos_encoding[:s])
    return out[:, :, :d]

# --- scband reference (transcript-rebuilt; emitter-appended) ---
"""Pipeline reference for scband-embedding-81655918231616 (READ-ONLY COPY).

The authoritative reference and input builder live on the scoring server;
editing this copy changes nothing except your own understanding.
"""

import jax, jax.numpy as jnp
import numpy as np

VOCAB = 1000000
DIM = 64
MAX_LEN = 256
PAD_IDX = 0
BATCH = 4096
SEQ = 200

def _make_pos_encoding(max_len, d_model):
    pe = np.zeros((max_len, d_model), dtype=np.float64)
    pos = np.arange(max_len, dtype=np.float64)[:, None]
    i = np.arange(0, d_model, 2, dtype=np.float64)[None, :]
    angle = pos / np.power(10000.0, i / d_model)
    pe[:, 0::2] = np.sin(angle)
    pe[:, 1::2] = np.cos(angle)
    return jnp.asarray(pe, dtype=jnp.float32)

def setup_inputs(seed: int = 0) -> dict:
    key = jax.random.key(seed)
    k_ids, k_tab = jax.random.split(key)
    input_ids = jax.random.randint(k_ids, (BATCH, SEQ), 0, VOCAB, dtype=jnp.int64 if jax.config.jax_enable_x64 else jnp.int32)
    table = jax.random.normal(k_tab, (VOCAB, DIM), dtype=jnp.float32)
    # nn.Embedding with padding_idx zeroes that row at init
    table = table.at[PAD_IDX].set(0.0)
    pos_encoding = _make_pos_encoding(MAX_LEN, DIM)
    return {"input_ids": input_ids, "table": table, "pos_encoding": pos_encoding}

def reference(input_ids, table, pos_encoding):
    token_emb = jnp.take(table, input_ids, axis=0)  # (B, S, D) gather
    seq_len = input_ids.shape[1]
    pos_emb = pos_encoding[:seq_len, :][None, :, :]
    return token_emb + pos_emb

if __name__ == "__main__":
    import jax
    _d = setup_inputs()
    print(jax.jit(kernel)(*tuple(_d.values())))

</pallas_src>

<mosaic_0001>
#map = affine_map<(d0, d1) -> (0, 0)>
#map1 = affine_map<(d0, d1) -> (0, 0, 0)>
module attributes {stable_mosaic.version = 14 : i64} {
  func.func @emb(%arg0: i32, %arg1: i32, %arg2: memref<1000000x128xf32, #tpu.memory_space<hbm>>, %arg3: memref<4096x200xi32, #tpu.memory_space<hbm>>, %arg4: memref<200x64xf32, #tpu.memory_space<hbm>>, %arg5: memref<4096x200x128xf32, #tpu.memory_space<hbm>>, %arg6: memref<2x2x200xi32, #tpu.memory_space<vmem>>, %arg7: memref<2x2x200x128xf32, #tpu.memory_space<vmem>>, %arg8: memref<200x64xf32, #tpu.memory_space<vmem>>, %arg9: memref<!tpu.dma_semaphore, #tpu.memory_space<semaphore_mem>>, %arg10: memref<!tpu.dma_semaphore, #tpu.memory_space<semaphore_mem>>, %arg11: memref<!tpu.dma_semaphore, #tpu.memory_space<semaphore_mem>>, %arg12: memref<!tpu.dma_semaphore, #tpu.memory_space<semaphore_mem>>) attributes {dimension_semantics = [#tpu.dimension_semantics<core_parallel>, #tpu.dimension_semantics<subcore_parallel>], iteration_bounds = array<i64: 2, 16>, scalar_prefetch = 0 : i64, scratch_operands = 7 : i64, tpu.core_type = #tpu.core_type<sc_vector_subcore>, window_params = [{transform_indices = #map}, {transform_indices = #map}, {transform_indices = #map}, {transform_indices = #map1}]} {
    %mul3A = arith.constant 2 : i32
    %mul3A_0 = arith.muli %arg1, %mul3A : i32
    %add3A = arith.addi %mul3A_0, %arg0 : i32
    %mul3A_1 = arith.constant 128 : i32
    %mul3A_2 = arith.muli %add3A, %mul3A_1 : i32
    "tpu.region"() ({
      %run_scoped3A = tpu.sem_alloc : memref<!tpu.dma_semaphore, #tpu.memory_space<semaphore_mem>>
      tpu.enqueue_dma source(%arg4 : memref<200x64xf32, #tpu.memory_space<hbm>>) target(%arg8 : memref<200x64xf32, #tpu.memory_space<vmem>>) target_semaphore(%run_scoped3A : memref<!tpu.dma_semaphore, #tpu.memory_space<semaphore_mem>>)
      tpu.wait_dma2 semaphore(%run_scoped3A : memref<!tpu.dma_semaphore, #tpu.memory_space<semaphore_mem>>) src(%arg4 : memref<200x64xf32, #tpu.memory_space<hbm>>) dst(%arg8 : memref<200x64xf32, #tpu.memory_space<vmem>>)
      tpu.yield
    }) : () -> ()
    %scan3A = arith.constant 0 : i32
    %scan3A_3 = arith.constant 0 : i32
    %scan3A_4 = arith.constant 32 : i32
    %scan3A_5 = arith.addi %scan3A_3, %scan3A_4 : i32
    %scan3A_6 = arith.constant 1 : i32
    scf.for %scan3A_157 = %scan3A_3 to %scan3A_5 step %scan3A_6  : i32 {
      %mul3A_158 = arith.constant 2 : i32
      %mul3A_159 = arith.muli %scan3A_157, %mul3A_158 : i32
      %add3A_160 = arith.constant 0 : i32
      %add3A_161 = arith.addi %mul3A_159, %add3A_160 : i32
      %ge3A = arith.constant 1 : i32
      %ge3A_162 = arith.cmpi sge, %scan3A_157, %ge3A : i32
      %convert_element_type3A = arith.extui %ge3A_162 : i1 to i32
      %cond3A = arith.constant 0 : i32
      %cond3A_163 = arith.cmpi ne, %convert_element_type3A, %cond3A : i32
      scf.if %cond3A_163 {
        %sub3A_478 = arith.constant 2 : i32
        %sub3A_479 = arith.subi %add3A_161, %sub3A_478 : i32
        %mul3A_480 = arith.constant 2 : i32
        %mul3A_481 = arith.muli %sub3A_479, %mul3A_480 : i32
        %add3A_482 = arith.addi %mul3A_2, %mul3A_481 : i32
        %add3A_483 = arith.constant 0 : i32
        %add3A_484 = arith.addi %add3A_482, %add3A_483 : i32
        %dma_wait3A_485 = arith.constant 0 : i32
        %dma_wait3A_486 = arith.constant 0 : i32
        %dma_wait3A_487 = arith.constant 0 : i32
        %dma_wait3A_488 = arith.constant 0 : i32
        %dma_wait3A_489 = tpu.memref_slice %arg7[%dma_wait3A_485, %dma_wait3A_486, %dma_wait3A_487, %dma_wait3A_488] : memref<2x2x200x128xf32, #tpu.memory_space<vmem>> -> memref<1x1x200x64xf32, #tpu.memory_space<vmem>>
        %dma_wait3A_490 = tpu.memref_squeeze %dma_wait3A_489 : memref<1x1x200x64xf32, #tpu.memory_space<vmem>> -> memref<200x64xf32, #tpu.memory_space<vmem>>
        %dma_wait3A_491 = arith.constant 0 : i32
        %dma_wait3A_492 = arith.constant 0 : i32
        %dma_wait3A_493 = tpu.memref_slice %arg5[%add3A_484, %dma_wait3A_491, %dma_wait3A_492] : memref<4096x200x128xf32, #tpu.memory_space<hbm>> -> memref<1x200x64xf32, #tpu.memory_space<hbm>>
        %dma_wait3A_494 = tpu.memref_squeeze %dma_wait3A_493 : memref<1x200x64xf32, #tpu.memory_space<hbm>> -> memref<200x64xf32, #tpu.memory_space<hbm>>
        %dma_wait3A_495 = arith.constant 0 : i32
        %dma_wait3A_496 = arith.constant 0 : i32
        %dma_wait3A_497 = tpu.memref_slice %arg5[%add3A_484, %dma_wait3A_495, %dma_wait3A_496] : memref<4096x200x128xf32, #tpu.memory_space<hbm>> -> memref<1x200x64xf32, #tpu.memory_space<hbm>>
        %dma_wait3A_498 = tpu.memref_squeeze %dma_wait3A_497 : memref<1x200x64xf32, #tpu.memory_space<hbm>> -> memref<200x64xf32, #tpu.memory_space<hbm>>
        %dma_wait3A_499 = arith.constant 0 : i32
        %dma_wait3A_500 = arith.constant 0 : i32
        %dma_wait3A_501 = tpu.memref_slice %arg7[%dma_wait3A_485, %dma_wait3A_486, %dma_wait3A_499, %dma_wait3A_500] : memref<2x2x200x128xf32, #tpu.memory_space<vmem>> -> memref<1x1x200x64xf32, #tpu.memory_space<vmem>>
        %dma_wait3A_502 = tpu.memref_squeeze %dma_wait3A_501 : memref<1x1x200x64xf32, #tpu.memory_space<vmem>> -> memref<200x64xf32, #tpu.memory_space<vmem>>
        tpu.wait_dma2 semaphore(%arg11 : memref<!tpu.dma_semaphore, #tpu.memory_space<semaphore_mem>>) src(%dma_wait3A_502 : memref<200x64xf32, #tpu.memory_space<vmem>>) dst(%dma_wait3A_498 : memref<200x64xf32, #tpu.memory_space<hbm>>)
        %mul3A_503 = arith.constant 2 : i32
        %mul3A_504 = arith.muli %sub3A_479, %mul3A_503 : i32
        %add3A_505 = arith.addi %mul3A_2, %mul3A_504 : i32
        %add3A_506 = arith.constant 1 : i32
        %add3A_507 = arith.addi %add3A_505, %add3A_506 : i32
        %dma_wait3A_508 = arith.constant 0 : i32
        %dma_wait3A_509 = arith.constant 1 : i32
        %dma_wait3A_510 = arith.constant 0 : i32
        %dma_wait3A_511 = arith.constant 0 : i32
        %dma_wait3A_512 = tpu.memref_slice %arg7[%dma_wait3A_508, %dma_wait3A_509, %dma_wait3A_510, %dma_wait3A_511] : memref<2x2x200x128xf32, #tpu.memory_space<vmem>> -> memref<1x1x200x64xf32, #tpu.memory_space<vmem>>
        %dma_wait3A_513 = tpu.memref_squeeze %dma_wait3A_512 : memref<1x1x200x64xf32, #tpu.memory_space<vmem>> -> memref<200x64xf32, #tpu.memory_space<vmem>>
        %dma_wait3A_514 = arith.constant 0 : i32
        %dma_wait3A_515 = arith.constant 0 : i32
        %dma_wait3A_516 = tpu.memref_slice %arg5[%add3A_507, %dma_wait3A_514, %dma_wait3A_515] : memref<4096x200x128xf32, #tpu.memory_space<hbm>> -> memref<1x200x64xf32, #tpu.memory_space<hbm>>
        %dma_wait3A_517 = tpu.memref_squeeze %dma_wait3A_516 : memref<1x200x64xf32, #tpu.memory_space<hbm>> -> memref<200x64xf32, #tpu.memory_space<hbm>>
        %dma_wait3A_518 = arith.constant 0 : i32
        %dma_wait3A_519 = arith.constant 0 : i32
        %dma_wait3A_520 = tpu.memref_slice %arg5[%add3A_507, %dma_wait3A_518, %dma_wait3A_519] : memref<4096x200x128xf32, #tpu.memory_space<hbm>> -> memref<1x200x64xf32, #tpu.memory_space<hbm>>
        %dma_wait3A_521 = tpu.memref_squeeze %dma_wait3A_520 : memref<1x200x64xf32, #tpu.memory_space<hbm>> -> memref<200x64xf32, #tpu.memory_space<hbm>>
        %dma_wait3A_522 = arith.constant 0 : i32
        %dma_wait3A_523 = arith.constant 0 : i32
        %dma_wait3A_524 = tpu.memref_slice %arg7[%dma_wait3A_508, %dma_wait3A_509, %dma_wait3A_522, %dma_wait3A_523] : memref<2x2x200x128xf32, #tpu.memory_space<vmem>> -> memref<1x1x200x64xf32, #tpu.memory_space<vmem>>
        %dma_wait3A_525 = tpu.memref_squeeze %dma_wait3A_524 : memref<1x1x200x64xf32, #tpu.memory_space<vmem>> -> memref<200x64xf32, #tpu.memory_space<vmem>>
        tpu.wait_dma2 semaphore(%arg11 : memref<!tpu.dma_semaphore, #tpu.memory_space<semaphore_mem>>) src(%dma_wait3A_525 : memref<200x64xf32, #tpu.memory_space<vmem>>) dst(%dma_wait3A_521 : memref<200x64xf32, #tpu.memory_space<hbm>>)
      } else {
      }
      %mul3A_164 = arith.constant 2 : i32
      %mul3A_165 = arith.muli %add3A_161, %mul3A_164 : i32
      %add3A_166 = arith.addi %mul3A_2, %mul3A_165 : i32
      %run_scoped3A = arith.constant 0 : i32
      "tpu.region"() ({
        %run_scoped3A_478 = tpu.sem_alloc : memref<!tpu.dma_semaphore, #tpu.memory_space<semaphore_mem>>
        %dma_start3A_479 = arith.constant 0 : i32
        %dma_start3A_480 = arith.constant 0 : i32
        %dma_start3A_481 = tpu.memref_slice %arg6[%run_scoped3A, %dma_start3A_479, %dma_start3A_480] : memref<2x2x200xi32, #tpu.memory_space<vmem>> -> memref<1x2x200xi32, #tpu.memory_space<vmem>>
        %dma_start3A_482 = tpu.memref_squeeze %dma_start3A_481 : memref<1x2x200xi32, #tpu.memory_space<vmem>> -> memref<2x200xi32, #tpu.memory_space<vmem>>
        %dma_start3A_483 = arith.constant 0 : i32
        %dma_start3A_484 = tpu.memref_slice %arg3[%add3A_166, %dma_start3A_483] : memref<4096x200xi32, #tpu.memory_space<hbm>> -> memref<2x200xi32, #tpu.memory_space<hbm>>
        %dma_start3A_485 = arith.constant 0 : i32
        %dma_start3A_486 = arith.constant 0 : i32
        %dma_start3A_487 = tpu.memref_slice %arg6[%run_scoped3A, %dma_start3A_485, %dma_start3A_486] : memref<2x2x200xi32, #tpu.memory_space<vmem>> -> memref<1x2x200xi32, #tpu.memory_space<vmem>>
        %dma_start3A_488 = tpu.memref_squeeze %dma_start3A_487 : memref<1x2x200xi32, #tpu.memory_space<vmem>> -> memref<2x200xi32, #tpu.memory_space<vmem>>
        %dma_start3A_489 = arith.constant 0 : i32
        %dma_start3A_490 = tpu.memref_slice %arg3[%add3A_166, %dma_start3A_489] : memref<4096x200xi32, #tpu.memory_space<hbm>> -> memref<2x200xi32, #tpu.memory_space<hbm>>
        tpu.enqueue_dma source(%dma_start3A_490 : memref<2x200xi32, #tpu.memory_space<hbm>>) target(%dma_start3A_488 : memref<2x200xi32, #tpu.memory_space<vmem>>) target_semaphore(%run_scoped3A_478 : memref<!tpu.dma_semaphore, #tpu.memory_space<semaphore_mem>>)
        %dma_wait3A_491 = arith.constant 0 : i32
        %dma_wait3A_492 = arith.constant 0 : i32
        %dma_wait3A_493 = tpu.memref_slice %arg6[%run_scoped3A, %dma_wait3A_491, %dma_wait3A_492] : memref<2x2x200xi32, #tpu.memory_space<vmem>> -> memref<1x2x200xi32, #tpu.memory_space<vmem>>
        %dma_wait3A_494 = tpu.memref_squeeze %dma_wait3A_493 : memref<1x2x200xi32, #tpu.memory_space<vmem>> -> memref<2x200xi32, #tpu.memory_space<vmem>>
        %dma_wait3A_495 = arith.constant 0 : i32
        %dma_wait3A_496 = tpu.memref_slice %arg3[%add3A_166, %dma_wait3A_495] : memref<4096x200xi32, #tpu.memory_space<hbm>> -> memref<2x200xi32, #tpu.memory_space<hbm>>
        %dma_wait3A_497 = arith.constant 0 : i32
        %dma_wait3A_498 = arith.constant 0 : i32
        %dma_wait3A_499 = tpu.memref_slice %arg6[%run_scoped3A, %dma_wait3A_497, %dma_wait3A_498] : memref<2x2x200xi32, #tpu.memory_space<vmem>> -> memref<1x2x200xi32, #tpu.memory_space<vmem>>
        %dma_wait3A_500 = tpu.memref_squeeze %dma_wait3A_499 : memref<1x2x200xi32, #tpu.memory_space<vmem>> -> memref<2x200xi32, #tpu.memory_space<vmem>>
        %dma_wait3A_501 = arith.constant 0 : i32
        %dma_wait3A_502 = tpu.memref_slice %arg3[%add3A_166, %dma_wait3A_501] : memref<4096x200xi32, #tpu.memory_space<hbm>> -> memref<2x200xi32, #tpu.memory_space<hbm>>
        tpu.wait_dma2 semaphore(%run_scoped3A_478 : memref<!tpu.dma_semaphore, #tpu.memory_space<semaphore_mem>>) src(%dma_wait3A_502 : memref<2x200xi32, #tpu.memory_space<hbm>>) dst(%dma_wait3A_500 : memref<2x200xi32, #tpu.memory_space<vmem>>)
        tpu.yield
      }) : () -> ()
      %parallel_loop3A = arith.constant 0 : i32
      %parallel_loop3A_167 = arith.constant 200 : i32
      %parallel_loop3A_168 = arith.constant 1 : i32
      scf.for %parallel_loop3A_478 = %parallel_loop3A to %parallel_loop3A_167 step %parallel_loop3A_168  : i32 {
        %parallel_loop3A_479 = arith.index_cast %parallel_loop3A_478 : i32 to index
        %parallel_loop3A_480 = arith.constant 0 : index
        %parallel_loop3A_481 = tpu.vector_load %arg8[%parallel_loop3A_479, %parallel_loop3A_480] {strides = array<i32>} : memref<200x64xf32, #tpu.memory_space<vmem>>, vector<1x16xf32>,
        %parallel_loop3A_482 = vector.shape_cast %parallel_loop3A_481 : vector<1x16xf32> to vector<16xf32>
        %parallel_loop3A_483 = arith.constant 0 : i32
        %parallel_loop3A_484 = arith.constant 0 : i32
        %parallel_loop3A_485 = arith.index_cast %parallel_loop3A_483 : i32 to index
        %parallel_loop3A_486 = arith.index_cast %parallel_loop3A_484 : i32 to index
        %parallel_loop3A_487 = arith.index_cast %parallel_loop3A_478 : i32 to index
        %parallel_loop3A_488 = arith.constant 0 : index
        %parallel_loop3A_489 = tpu.vector_load %arg7[%parallel_loop3A_485, %parallel_loop3A_486, %parallel_loop3A_487, %parallel_loop3A_488] {strides = array<i32>} : memref<2x2x200x128xf32, #tpu.memory_space<vmem>>, vector<1x1x1x16xf32>,
        %parallel_loop3A_490 = vector.shape_cast %parallel_loop3A_489 : vector<1x1x1x16xf32> to vector<16xf32>
        %parallel_loop3A_491 = vector.shape_cast %parallel_loop3A_482 : vector<16xf32> to vector<1x1x1x16xf32>
        tpu.vector_store %arg7[%parallel_loop3A_485, %parallel_loop3A_486, %parallel_loop3A_487, %parallel_loop3A_488], %parallel_loop3A_491 {strides = array<i32>} : memref<2x2x200x128xf32, #tpu.memory_space<vmem>>, vector<1x1x1x16xf32>,
        %parallel_loop3A_492 = arith.index_cast %parallel_loop3A_478 : i32 to index
        %parallel_loop3A_493 = arith.constant 16 : index
        %parallel_loop3A_494 = tpu.vector_load %arg8[%parallel_loop3A_492, %parallel_loop3A_493] {strides = array<i32>} : memref<200x64xf32, #tpu.memory_space<vmem>>, vector<1x16xf32>,
        %parallel_loop3A_495 = vector.shape_cast %parallel_loop3A_494 : vector<1x16xf32> to vector<16xf32>
        %parallel_loop3A_496 = arith.constant 0 : i32
        %parallel_loop3A_497 = arith.constant 0 : i32
        %parallel_loop3A_498 = arith.index_cast %parallel_loop3A_496 : i32 to index
        %parallel_loop3A_499 = arith.index_cast %parallel_loop3A_497 : i32 to index
        %parallel_loop3A_500 = arith.index_cast %parallel_loop3A_478 : i32 to index
        %parallel_loop3A_501 = arith.constant 16 : index
        %parallel_loop3A_502 = tpu.vector_load %arg7[%parallel_loop3A_498, %parallel_loop3A_499, %parallel_loop3A_500, %parallel_loop3A_501] {strides = array<i32>} : memref<2x2x200x128xf32, #tpu.memory_space<vmem>>, vector<1x1x1x16xf32>,
        %parallel_loop3A_503 = vector.shape_cast %parallel_loop3A_502 : vector<1x1x1x16xf32> to vector<16xf32>
        %parallel_loop3A_504 = vector.shape_cast %parallel_loop3A_495 : vector<16xf32> to vector<1x1x1x16xf32>
        tpu.vector_store %arg7[%parallel_loop3A_498, %parallel_loop3A_499, %parallel_loop3A_500, %parallel_loop3A_501], %parallel_loop3A_504 {strides = array<i32>} : memref<2x2x200x128xf32, #tpu.memory_space<vmem>>, vector<1x1x1x16xf32>,
        %parallel_loop3A_505 = arith.index_cast %parallel_loop3A_478 : i32 to index
        %parallel_loop3A_506 = arith.constant 32 : index
        %parallel_loop3A_507 = tpu.vector_load %arg8[%parallel_loop3A_505, %parallel_loop3A_506] {strides = array<i32>} : memref<200x64xf32, #tpu.memory_space<vmem>>, vector<1x16xf32>,
        %parallel_loop3A_508 = vector.shape_cast %parallel_loop3A_507 : vector<1x16xf32> to vector<16xf32>
        %parallel_loop3A_509 = arith.constant 0 : i32
        %parallel_loop3A_510 = arith.constant 0 : i32
        %parallel_loop3A_511 = arith.index_cast %parallel_loop3A_509 : i32 to index
        %parallel_loop3A_512 = arith.index_cast %parallel_loop3A_510 : i32 to index
        %parallel_loop3A_513 = arith.index_cast %parallel_loop3A_478 : i32 to index
        %parallel_loop3A_514 = arith.constant 32 : index
        %parallel_loop3A_515 = tpu.vector_load %arg7[%parallel_loop3A_511, %parallel_loop3A_512, %parallel_loop3A_513, %parallel_loop3A_514] {strides = array<i32>} : memref<2x2x200x128xf32, #tpu.memory_space<vmem>>, vector<1x1x1x16xf32>,
        %parallel_loop3A_516 = vector.shape_cast %parallel_loop3A_515 : vector<1x1x1x16xf32> to vector<16xf32>
        %parallel_loop3A_517 = vector.shape_cast %parallel_loop3A_508 : vector<16xf32> to vector<1x1x1x16xf32>
        tpu.vector_store %arg7[%parallel_loop3A_511, %parallel_loop3A_512, %parallel_loop3A_513, %parallel_loop3A_514], %parallel_loop3A_517 {strides = array<i32>} : memref<2x2x200x128xf32, #tpu.memory_space<vmem>>, vector<1x1x1x16xf32>,
        %parallel_loop3A_518 = arith.index_cast %parallel_loop3A_478 : i32 to index
        %parallel_loop3A_519 = arith.constant 48 : index
        %parallel_loop3A_520 = tpu.vector_load %arg8[%parallel_loop3A_518, %parallel_loop3A_519] {strides = array<i32>} : memref<200x64xf32, #tpu.memory_space<vmem>>, vector<1x16xf32>,
        %parallel_loop3A_521 = vector.shape_cast %parallel_loop3A_520 : vector<1x16xf32> to vector<16xf32>
        %parallel_loop3A_522 = arith.constant 0 : i32
        %parallel_loop3A_523 = arith.constant 0 : i32
        %parallel_loop3A_524 = arith.index_cast %parallel_loop3A_522 : i32 to index
        %parallel_loop3A_525 = arith.index_cast %parallel_loop3A_523 : i32 to index
        %parallel_loop3A_526 = arith.index_cast %parallel_loop3A_478 : i32 to index
        %parallel_loop3A_527 = arith.constant 48 : index
        %parallel_loop3A_528 = tpu.vector_load %arg7[%parallel_loop3A_524, %parallel_loop3A_525, %parallel_loop3A_526, %parallel_loop3A_527] {strides = array<i32>} : memref<2x2x200x128xf32, #tpu.memory_space<vmem>>, vector<1x1x1x16xf32>,
        %parallel_loop3A_529 = vector.shape_cast %parallel_loop3A_528 : vector<1x1x1x16xf32> to vector<16xf32>
        %parallel_loop3A_530 = vector.shape_cast %parallel_loop3A_521 : vector<16xf32> to vector<1x1x1x16xf32>
        tpu.vector_store %arg7[%parallel_loop3A_524, %parallel_loop3A_525, %parallel_loop3A_526, %parallel_loop3A_527], %parallel_loop3A_530 {strides = array<i32>} : memref<2x2x200x128xf32, #tpu.memory_space<vmem>>, vector<1x1x1x16xf32>,
        %parallel_loop3A_531 = arith.index_cast %parallel_loop3A_478 : i32 to index
        %parallel_loop3A_532 = arith.constant 0 : index
        %parallel_loop3A_533 = tpu.vector_load %arg8[%parallel_loop3A_531, %parallel_loop3A_532] {strides = array<i32>} : memref<200x64xf32, #tpu.memory_space<vmem>>, vector<1x16xf32>,
        %parallel_loop3A_534 = vector.shape_cast %parallel_loop3A_533 : vector<1x16xf32> to vector<16xf32>
        %parallel_loop3A_535 = arith.constant 0 : i32
        %parallel_loop3A_536 = arith.constant 1 : i32
        %parallel_loop3A_537 = arith.index_cast %parallel_loop3A_535 : i32 to index
        %parallel_loop3A_538 = arith.index_cast %parallel_loop3A_536 : i32 to index
        %parallel_loop3A_539 = arith.index_cast %parallel_loop3A_478 : i32 to index
        %parallel_loop3A_540 = arith.constant 0 : index
        %parallel_loop3A_541 = tpu.vector_load %arg7[%parallel_loop3A_537, %parallel_loop3A_538, %parallel_loop3A_539, %parallel_loop3A_540] {strides = array<i32>} : memref<2x2x200x128xf32, #tpu.memory_space<vmem>>, vector<1x1x1x16xf32>,
        %parallel_loop3A_542 = vector.shape_cast %parallel_loop3A_541 : vector<1x1x1x16xf32> to vector<16xf32>
        %parallel_loop3A_543 = vector.shape_cast %parallel_loop3A_534 : vector<16xf32> to vector<1x1x1x16xf32>
        tpu.vector_store %arg7[%parallel_loop3A_537, %parallel_loop3A_538, %parallel_loop3A_539, %parallel_loop3A_540], %parallel_loop3A_543 {strides = array<i32>} : memref<2x2x200x128xf32, #tpu.memory_space<vmem>>, vector<1x1x1x16xf32>,
        %parallel_loop3A_544 = arith.index_cast %parallel_loop3A_478 : i32 to index
        %parallel_loop3A_545 = arith.constant 16 : index
        %parallel_loop3A_546 = tpu.vector_load %arg8[%parallel_loop3A_544, %parallel_loop3A_545] {strides = array<i32>} : memref<200x64xf32, #tpu.memory_space<vmem>>, vector<1x16xf32>,
        %parallel_loop3A_547 = vector.shape_cast %parallel_loop3A_546 : vector<1x16xf32> to vector<16xf32>
        %parallel_loop3A_548 = arith.constant 0 : i32
        %parallel_loop3A_549 = arith.constant 1 : i32
        %parallel_loop3A_550 = arith.index_cast %parallel_loop3A_548 : i32 to index
        %parallel_loop3A_551 = arith.index_cast %parallel_loop3A_549 : i32 to index
        %parallel_loop3A_552 = arith.index_cast %parallel_loop3A_478 : i32 to index
        %parallel_loop3A_553 = arith.constant 16 : index
        %parallel_loop3A_554 = tpu.vector_load %arg7[%parallel_loop3A_550, %parallel_loop3A_551, %parallel_loop3A_552, %parallel_loop3A_553] {strides = array<i32>} : memref<2x2x200x128xf32, #tpu.memory_space<vmem>>, vector<1x1x1x16xf32>,
        %parallel_loop3A_555 = vector.shape_cast %parallel_loop3A_554 : vector<1x1x1x16xf32> to vector<16xf32>
        %parallel_loop3A_556 = vector.shape_cast %parallel_loop3A_547 : vector<16xf32> to vector<1x1x1x16xf32>
        tpu.vector_store %arg7[%parallel_loop3A_550, %parallel_loop3A_551, %parallel_loop3A_552, %parallel_loop3A_553], %parallel_loop3A_556 {strides = array<i32>} : memref<2x2x200x128xf32, #tpu.memory_space<vmem>>, vector<1x1x1x16xf32>,
        %parallel_loop3A_557 = arith.index_cast %parallel_loop3A_478 : i32 to index
        %parallel_loop3A_558 = arith.constant 32 : index
        %parallel_loop3A_559 = tpu.vector_load %arg8[%parallel_loop3A_557, %parallel_loop3A_558] {strides = array<i32>} : memref<200x64xf32, #tpu.memory_space<vmem>>, vector<1x16xf32>,
        %parallel_loop3A_560 = vector.shape_cast %parallel_loop3A_559 : vector<1x16xf32> to vector<16xf32>
        %parallel_loop3A_561 = arith.constant 0 : i32
        %parallel_loop3A_562 = arith.constant 1 : i32
        %parallel_loop3A_563 = arith.index_cast %parallel_loop3A_561 : i32 to index
        %parallel_loop3A_564 = arith.index_cast %parallel_loop3A_562 : i32 to index
        %parallel_loop3A_565 = arith.index_cast %parallel_loop3A_478 : i32 to index
        %parallel_loop3A_566 = arith.constant 32 : index
        %parallel_loop3A_567 = tpu.vector_load %arg7[%parallel_loop3A_563, %parallel_loop3A_564, %parallel_loop3A_565, %parallel_loop3A_566] {strides = array<i32>} : memref<2x2x200x128xf32, #tpu.memory_space<vmem>>, vector<1x1x1x16xf32>,
        %parallel_loop3A_568 = vector.shape_cast %parallel_loop3A_567 : vector<1x1x1x16xf32> to vector<16xf32>
        %parallel_loop3A_569 = vector.shape_cast %parallel_loop3A_560 : vector<16xf32> to vector<1x1x1x16xf32>
        tpu.vector_store %arg7[%parallel_loop3A_563, %parallel_loop3A_564, %parallel_loop3A_565, %parallel_loop3A_566], %parallel_loop3A_569 {strides = array<i32>} : memref<2x2x200x128xf32, #tpu.memory_space<vmem>>, vector<1x1x1x16xf32>,
        %parallel_loop3A_570 = arith.index_cast %parallel_loop3A_478 : i32 to index
        %parallel_loop3A_571 = arith.constant 48 : index
        %parallel_loop3A_572 = tpu.vector_load %arg8[%parallel_loop3A_570, %parallel_loop3A_571] {strides = array<i32>} : memref<200x64xf32, #tpu.memory_space<vmem>>, vector<1x16xf32>,
        %parallel_loop3A_573 = vector.shape_cast %parallel_loop3A_572 : vector<1x16xf32> to vector<16xf32>
        %parallel_loop3A_574 = arith.constant 0 : i32
        %parallel_loop3A_575 = arith.constant 1 : i32
        %parallel_loop3A_576 = arith.index_cast %parallel_loop3A_574 : i32 to index
        %parallel_loop3A_577 = arith.index_cast %parallel_loop3A_575 : i32 to index
        %parallel_loop3A_578 = arith.index_cast %parallel_loop3A_478 : i32 to index
        %parallel_loop3A_579 = arith.constant 48 : index
        %parallel_loop3A_580 = tpu.vector_load %arg7[%parallel_loop3A_576, %parallel_loop3A_577, %parallel_loop3A_578, %parallel_loop3A_579] {strides = array<i32>} : memref<2x2x200x128xf32, #tpu.memory_space<vmem>>, vector<1x1x1x16xf32>,
        %parallel_loop3A_581 = vector.shape_cast %parallel_loop3A_580 : vector<1x1x1x16xf32> to vector<16xf32>
        %parallel_loop3A_582 = vector.shape_cast %parallel_loop3A_573 : vector<16xf32> to vector<1x1x1x16xf32>
        tpu.vector_store %arg7[%parallel_loop3A_576, %parallel_loop3A_577, %parallel_loop3A_578, %parallel_loop3A_579], %parallel_loop3A_582 {strides = array<i32>} : memref<2x2x200x128xf32, #tpu.memory_space<vmem>>, vector<1x1x1x16xf32>,
      } {sc.loop_unroll_factor = 8 : i64, sc.parallel_access}
      %dma_start3A_169 = arith.constant 0 : i32
      %dma_start3A_170 = arith.constant 0 : i32
      %dma_start3A_171 = arith.constant 0 : i32
      %dma_start3A_172 = arith.constant 0 : i32
      %dma_start3A_173 = arith.constant 0 : i32
      %dma_start3A_174 = arith.constant 0 : i32
      %dma_start3A_175 = tpu.memref_slice %arg7[%dma_start3A_171, %dma_start3A_172, %dma_start3A_173, %dma_start3A_174] : memref<2x2x200x128xf32, #tpu.memory_space<vmem>> -> memref<1x1x40x128xf32, #tpu.memory_space<vmem>>
      %dma_start3A_176 = tpu.memref_squeeze %dma_start3A_175 : memref<1x1x40x128xf32, #tpu.memory_space<vmem>> -> memref<40x128xf32, #tpu.memory_space<vmem>>
      %dma_start3A_177 = arith.constant 0 : i32
      %dma_start3A_178 = tpu.memref_slice %arg6[%dma_start3A_169, %dma_start3A_170, %dma_start3A_177] : memref<2x2x200xi32, #tpu.memory_space<vmem>> -> memref<1x1x40xi32, #tpu.memory_space<vmem>>
      %dma_start3A_179 = tpu.memref_squeeze %dma_start3A_178 : memref<1x1x40xi32, #tpu.memory_space<vmem>> -> memref<40xi32, #tpu.memory_space<vmem>>
      %dma_start3A_180 = arith.constant 0 : i32
      %dma_start3A_181 = arith.constant 0 : i32
      %dma_start3A_182 = tpu.memref_slice %arg2[%dma_start3A_180, %dma_start3A_181] : memref<1000000x128xf32, #tpu.memory_space<hbm>> -> memref<1000000x128xf32, #tpu.memory_space<hbm>>
      tpu.enqueue_indirect_dma source(%dma_start3A_182 : memref<1000000x128xf32, #tpu.memory_space<hbm>>) target(%dma_start3A_176 : memref<40x128xf32, #tpu.memory_space<vmem>>) offsets(%dma_start3A_179 : memref<40xi32, #tpu.memory_space<vmem>>) semaphore(%arg9 : memref<!tpu.dma_semaphore, #tpu.memory_space<semaphore_mem>>) {add = true}
      %dma_start3A_183 = arith.constant 0 : i32
      %dma_start3A_184 = arith.constant 0 : i32
      %dma_start3A_185 = arith.constant 0 : i32
      %dma_start3A_186 = arith.constant 0 : i32
      %dma_start3A_187 = arith.constant 40 : i32
      %dma_start3A_188 = arith.constant 0 : i32
      %dma_start3A_189 = tpu.memref_slice %arg7[%dma_start3A_185, %dma_start3A_186, %dma_start3A_187, %dma_start3A_188] : memref<2x2x200x128xf32, #tpu.memory_space<vmem>> -> memref<1x1x40x128xf32, #tpu.memory_space<vmem>>
      %dma_start3A_190 = tpu.memref_squeeze %dma_start3A_189 : memref<1x1x40x128xf32, #tpu.memory_space<vmem>> -> memref<40x128xf32, #tpu.memory_space<vmem>>
      %dma_start3A_191 = arith.constant 40 : i32
      %dma_start3A_192 = tpu.memref_slice %arg6[%dma_start3A_183, %dma_start3A_184, %dma_start3A_191] : memref<2x2x200xi32, #tpu.memory_space<vmem>> -> memref<1x1x40xi32, #tpu.memory_space<vmem>>
      %dma_start3A_193 = tpu.memref_squeeze %dma_start3A_192 : memref<1x1x40xi32, #tpu.memory_space<vmem>> -> memref<40xi32, #tpu.memory_space<vmem>>
      %dma_start3A_194 = arith.constant 0 : i32
      %dma_start3A_195 = arith.constant 0 : i32
      %dma_start3A_196 = tpu.memref_slice %arg2[%dma_start3A_194, %dma_start3A_195] : memref<1000000x128xf32, #tpu.memory_space<hbm>> -> memref<1000000x128xf32, #tpu.memory_space<hbm>>
      tpu.enqueue_indirect_dma source(%dma_start3A_196 : memref<1000000x128xf32, #tpu.memory_space<hbm>>) target(%dma_start3A_190 : memref<40x128xf32, #tpu.memory_space<vmem>>) offsets(%dma_start3A_193 : memref<40xi32, #tpu.memory_space<vmem>>) semaphore(%arg9 : memref<!tpu.dma_semaphore, #tpu.memory_space<semaphore_mem>>) {add = true}
      %dma_start3A_197 = arith.constant 0 : i32
      %dma_start3A_198 = arith.constant 0 : i32
      %dma_start3A_199 = arith.constant 0 : i32
      %dma_start3A_200 = arith.constant 0 : i32
      %dma_start3A_201 = arith.constant 80 : i32
      %dma_start3A_202 = arith.constant 0 : i32
      %dma_start3A_203 = tpu.memref_slice %arg7[%dma_start3A_199, %dma_start3A_200, %dma_start3A_201, %dma_start3A_202] : memref<2x2x200x128xf32, #tpu.memory_space<vmem>> -> memref<1x1x40x128xf32, #tpu.memory_space<vmem>>
      %dma_start3A_204 = tpu.memref_squeeze %dma_start3A_203 : memref<1x1x40x128xf32, #tpu.memory_space<vmem>> -> memref<40x128xf32, #tpu.memory_space<vmem>>
      %dma_start3A_205 = arith.constant 80 : i32
      %dma_start3A_206 = tpu.memref_slice %arg6[%dma_start3A_197, %dma_start3A_198, %dma_start3A_205] : memref<2x2x200xi32, #tpu.memory_space<vmem>> -> memref<1x1x40xi32, #tpu.memory_space<vmem>>
      %dma_start3A_207 = tpu.memref_squeeze %dma_start3A_206 : memref<1x1x40xi32, #tpu.memory_space<vmem>> -> memref<40xi32, #tpu.memory_space<vmem>>
      %dma_start3A_208 = arith.constant 0 : i32
      %dma_start3A_209 = arith.constant 0 : i32
      %dma_start3A_210 = tpu.memref_slice %arg2[%dma_start3A_208, %dma_start3A_209] : memref<1000000x128xf32, #tpu.memory_space<hbm>> -> memref<1000000x128xf32, #tpu.memory_space<hbm>>
      tpu.enqueue_indirect_dma source(%dma_start3A_210 : memref<1000000x128xf32, #tpu.memory_space<hbm>>) target(%dma_start3A_204 : memref<40x128xf32, #tpu.memory_space<vmem>>) offsets(%dma_start3A_207 : memref<40xi32, #tpu.memory_space<vmem>>) semaphore(%arg9 : memref<!tpu.dma_semaphore, #tpu.memory_space<semaphore_mem>>) {add = true}
      %dma_start3A_211 = arith.constant 0 : i32
      %dma_start3A_212 = arith.constant 0 : i32
      %dma_start3A_213 = arith.constant 0 : i32
      %dma_start3A_214 = arith.constant 0 : i32
      %dma_start3A_215 = arith.constant 120 : i32
      %dma_start3A_216 = arith.constant 0 : i32
      %dma_start3A_217 = tpu.memref_slice %arg7[%dma_start3A_213, %dma_start3A_214, %dma_start3A_215, %dma_start3A_216] : memref<2x2x200x128xf32, #tpu.memory_space<vmem>> -> memref<1x1x40x128xf32, #tpu.memory_space<vmem>>
      %dma_start3A_218 = tpu.memref_squeeze %dma_start3A_217 : memref<1x1x40x128xf32, #tpu.memory_space<vmem>> -> memref<40x128xf32, #tpu.memory_space<vmem>>
      %dma_start3A_219 = arith.constant 120 : i32
      %dma_start3A_220 = tpu.memref_slice %arg6[%dma_start3A_211, %dma_start3A_212, %dma_start3A_219] : memref<2x2x200xi32, #tpu.memory_space<vmem>> -> memref<1x1x40xi32, #tpu.memory_space<vmem>>
      %dma_start3A_221 = tpu.memref_squeeze %dma_start3A_220 : memref<1x1x40xi32, #tpu.memory_space<vmem>> -> memref<40xi32, #tpu.memory_space<vmem>>
      %dma_start3A_222 = arith.constant 0 : i32
      %dma_start3A_223 = arith.constant 0 : i32
      %dma_start3A_224 = tpu.memref_slice %arg2[%dma_start3A_222, %dma_start3A_223] : memref<1000000x128xf32, #tpu.memory_space<hbm>> -> memref<1000000x128xf32, #tpu.memory_space<hbm>>
      tpu.enqueue_indirect_dma source(%dma_start3A_224 : memref<1000000x128xf32, #tpu.memory_space<hbm>>) target(%dma_start3A_218 : memref<40x128xf32, #tpu.memory_space<vmem>>) offsets(%dma_start3A_221 : memref<40xi32, #tpu.memory_space<vmem>>) semaphore(%arg9 : memref<!tpu.dma_semaphore, #tpu.memory_space<semaphore_mem>>) {add = true}
      %dma_start3A_225 = arith.constant 0 : i32
      %dma_start3A_226 = arith.constant 0 : i32
      %dma_start3A_227 = arith.constant 0 : i32
      %dma_start3A_228 = arith.constant 0 : i32
      %dma_start3A_229 = arith.constant 160 : i32
      %dma_start3A_230 = arith.constant 0 : i32
      %dma_start3A_231 = tpu.memref_slice %arg7[%dma_start3A_227, %dma_start3A_228, %dma_start3A_229, %dma_start3A_230] : memref<2x2x200x128xf32, #tpu.memory_space<vmem>> -> memref<1x1x40x128xf32, #tpu.memory_space<vmem>>
      %dma_start3A_232 = tpu.memref_squeeze %dma_start3A_231 : memref<1x1x40x128xf32, #tpu.memory_space<vmem>> -> memref<40x128xf32, #tpu.memory_space<vmem>>
      %dma_start3A_233 = arith.constant 160 : i32
      %dma_start3A_234 = tpu.memref_slice %arg6[%dma_start3A_225, %dma_start3A_226, %dma_start3A_233] : memref<2x2x200xi32, #tpu.memory_space<vmem>> -> memref<1x1x40xi32, #tpu.memory_space<vmem>>
      %dma_start3A_235 = tpu.memref_squeeze %dma_start3A_234 : memref<1x1x40xi32, #tpu.memory_space<vmem>> -> memref<40xi32, #tpu.memory_space<vmem>>
      %dma_start3A_236 = arith.constant 0 : i32
      %dma_start3A_237 = arith.constant 0 : i32
      %dma_start3A_238 = tpu.memref_slice %arg2[%dma_start3A_236, %dma_start3A_237] : memref<1000000x128xf32, #tpu.memory_space<hbm>> -> memref<1000000x128xf32, #tpu.memory_space<hbm>>
      tpu.enqueue_indirect_dma source(%dma_start3A_238 : memref<1000000x128xf32, #tpu.memory_space<hbm>>) target(%dma_start3A_232 : memref<40x128xf32, #tpu.memory_space<vmem>>) offsets(%dma_start3A_235 : memref<40xi32, #tpu.memory_space<vmem>>) semaphore(%arg9 : memref<!tpu.dma_semaphore, #tpu.memory_space<semaphore_mem>>) {add = true}
      %dma_start3A_239 = arith.constant 0 : i32
      %dma_start3A_240 = arith.constant 1 : i32
      %dma_start3A_241 = arith.constant 0 : i32
      %dma_start3A_242 = arith.constant 1 : i32
      %dma_start3A_243 = arith.constant 0 : i32
      %dma_start3A_244 = arith.constant 0 : i32
      %dma_start3A_245 = tpu.memref_slice %arg7[%dma_start3A_241, %dma_start3A_242, %dma_start3A_243, %dma_start3A_244] : memref<2x2x200x128xf32, #tpu.memory_space<vmem>> -> memref<1x1x40x128xf32, #tpu.memory_space<vmem>>
      %dma_start3A_246 = tpu.memref_squeeze %dma_start3A_245 : memref<1x1x40x128xf32, #tpu.memory_space<vmem>> -> memref<40x128xf32, #tpu.memory_space<vmem>>
      %dma_start3A_247 = arith.constant 0 : i32
      %dma_start3A_248 = tpu.memref_slice %arg6[%dma_start3A_239, %dma_start3A_240, %dma_start3A_247] : memref<2x2x200xi32, #tpu.memory_space<vmem>> -> memref<1x1x40xi32, #tpu.memory_space<vmem>>
      %dma_start3A_249 = tpu.memref_squeeze %dma_start3A_248 : memref<1x1x40xi32, #tpu.memory_space<vmem>> -> memref<40xi32, #tpu.memory_space<vmem>>
      %dma_start3A_250 = arith.constant 0 : i32
      %dma_start3A_251 = arith.constant 0 : i32
      %dma_start3A_252 = tpu.memref_slice %arg2[%dma_start3A_250, %dma_start3A_251] : memref<1000000x128xf32, #tpu.memory_space<hbm>> -> memref<1000000x128xf32, #tpu.memory_space<hbm>>
      tpu.enqueue_indirect_dma source(%dma_start3A_252 : memref<1000000x128xf32, #tpu.memory_space<hbm>>) target(%dma_start3A_246 : memref<40x128xf32, #tpu.memory_space<vmem>>) offsets(%dma_start3A_249 : memref<40xi32, #tpu.memory_space<vmem>>) semaphore(%arg9 : memref<!tpu.dma_semaphore, #tpu.memory_space<semaphore_mem>>) {add = true}
      %dma_start3A_253 = arith.constant 0 : i32
      %dma_start3A_254 = arith.constant 1 : i32
      %dma_start3A_255 = arith.constant 0 : i32
      %dma_start3A_256 = arith.constant 1 : i32
      %dma_start3A_257 = arith.constant 40 : i32
      %dma_start3A_258 = arith.constant 0 : i32
      %dma_start3A_259 = tpu.memref_slice %arg7[%dma_start3A_255, %dma_start3A_256, %dma_start3A_257, %dma_start3A_258] : memref<2x2x200x128xf32, #tpu.memory_space<vmem>> -> memref<1x1x40x128xf32, #tpu.memory_space<vmem>>
      %dma_start3A_260 = tpu.memref_squeeze %dma_start3A_259 : memref<1x1x40x128xf32, #tpu.memory_space<vmem>> -> memref<40x128xf32, #tpu.memory_space<vmem>>
      %dma_start3A_261 = arith.constant 40 : i32
      %dma_start3A_262 = tpu.memref_slice %arg6[%dma_start3A_253, %dma_start3A_254, %dma_start3A_261] : memref<2x2x200xi32, #tpu.memory_space<vmem>> -> memref<1x1x40xi32, #tpu.memory_space<vmem>>
      %dma_start3A_263 = tpu.memref_squeeze %dma_start3A_262 : memref<1x1x40xi32, #tpu.memory_space<vmem>> -> memref<40xi32, #tpu.memory_space<vmem>>
      %dma_start3A_264 = arith.constant 0 : i32
      %dma_start3A_265 = arith.constant 0 : i32
      %dma_start3A_266 = tpu.memref_slice %arg2[%dma_start3A_264, %dma_start3A_265] : memref<1000000x128xf32, #tpu.memory_space<hbm>> -> memref<1000000x128xf32, #tpu.memory_space<hbm>>
      tpu.enqueue_indirect_dma source(%dma_start3A_266 : memref<1000000x128xf32, #tpu.memory_space<hbm>>) target(%dma_start3A_260 : memref<40x128xf32, #tpu.memory_space<vmem>>) offsets(%dma_start3A_263 : memref<40xi32, #tpu.memory_space<vmem>>) semaphore(%arg9 : memref<!tpu.dma_semaphore, #tpu.memory_space<semaphore_mem>>) {add = true}
      %dma_start3A_267 = arith.constant 0 : i32
      %dma_start3A_268 = arith.constant 1 : i32
      %dma_start3A_269 = arith.constant 0 : i32
      %dma_start3A_270 = arith.constant 1 : i32
      %dma_start3A_271 = arith.constant 80 : i32
      %dma_start3A_272 = arith.constant 0 : i32
      %dma_start3A_273 = tpu.memref_slice %arg7[%dma_start3A_269, %dma_start3A_270, %dma_start3A_271, %dma_start3A_272] : memref<2x2x200x128xf32, #tpu.memory_space<vmem>> -> memref<1x1x40x128xf32, #tpu.memory_space<vmem>>
      %dma_start3A_274 = tpu.memref_squeeze %dma_start3A_273 : memref<1x1x40x128xf32, #tpu.memory_space<vmem>> -> memref<40x128xf32, #tpu.memory_space<vmem>>
      %dma_start3A_275 = arith.constant 80 : i32
      %dma_start3A_276 = tpu.memref_slice %arg6[%dma_start3A_267, %dma_start3A_268, %dma_start3A_275] : memref<2x2x200xi32, #tpu.memory_space<vmem>> -> memref<1x1x40xi32, #tpu.memory_space<vmem>>
      %dma_start3A_277 = tpu.memref_squeeze %dma_start3A_276 : memref<1x1x40xi32, #tpu.memory_space<vmem>> -> memref<40xi32, #tpu.memory_space<vmem>>
      %dma_start3A_278 = arith.constant 0 : i32
      %dma_start3A_279 = arith.constant 0 : i32
      %dma_start3A_280 = tpu.memref_slice %arg2[%dma_start3A_278, %dma_start3A_279] : memref<1000000x128xf32, #tpu.memory_space<hbm>> -> memref<1000000x128xf32, #tpu.memory_space<hbm>>
      tpu.enqueue_indirect_dma source(%dma_start3A_280 : memref<1000000x128xf32, #tpu.memory_space<hbm>>) target(%dma_start3A_274 : memref<40x128xf32, #tpu.memory_space<vmem>>) offsets(%dma_start3A_277 : memref<40xi32, #tpu.memory_space<vmem>>) semaphore(%arg9 : memref<!tpu.dma_semaphore, #tpu.memory_space<semaphore_mem>>) {add = true}
      %dma_start3A_281 = arith.constant 0 : i32
      %dma_start3A_282 = arith.constant 1 : i32
      %dma_start3A_283 = arith.constant 0 : i32
      %dma_start3A_284 = arith.constant 1 : i32
      %dma_start3A_285 = arith.constant 120 : i32
      %dma_start3A_286 = arith.constant 0 : i32
      %dma_start3A_287 = tpu.memref_slice %arg7[%dma_start3A_283, %dma_start3A_284, %dma_start3A_285, %dma_start3A_286] : memref<2x2x200x128xf32, #tpu.memory_space<vmem>> -> memref<1x1x40x128xf32, #tpu.memory_space<vmem>>
      %dma_start3A_288 = tpu.memref_squeeze %dma_start3A_287 : memref<1x1x40x128xf32, #tpu.memory_space<vmem>> -> memref<40x128xf32, #tpu.memory_space<vmem>>
      %dma_start3A_289 = arith.constant 120 : i32
      %dma_start3A_290 = tpu.memref_slice %arg6[%dma_start3A_281, %dma_start3A_282, %dma_start3A_289] : memref<2x2x200xi32, #tpu.memory_space<vmem>> -> memref<1x1x40xi32, #tpu.memory_space<vmem>>
      %dma_start3A_291 = tpu.memref_squeeze %dma_start3A_290 : memref<1x1x40xi32, #tpu.memory_space<vmem>> -> memref<40xi32, #tpu.memory_space<vmem>>
      %dma_start3A_292 = arith.constant 0 : i32
      %dma_start3A_293 = arith.constant 0 : i32
      %dma_start3A_294 = tpu.memref_slice %arg2[%dma_start3A_292, %dma_start3A_293] : memref<1000000x128xf32, #tpu.memory_space<hbm>> -> memref<1000000x128xf32, #tpu.memory_space<hbm>>
      tpu.enqueue_indirect_dma source(%dma_start3A_294 : memref<1000000x128xf32, #tpu.memory_space<hbm>>) target(%dma_start3A_288 : memref<40x128xf32, #tpu.memory_space<vmem>>) offsets(%dma_start3A_291 : memref<40xi32, #tpu.memory_space<vmem>>) semaphore(%arg9 : memref<!tpu.dma_semaphore, #tpu.memory_space<semaphore_mem>>) {add = true}
      %dma_start3A_295 = arith.constant 0 : i32
      %dma_start3A_296 = arith.constant 1 : i32
      %dma_start3A_297 = arith.constant 0 : i32
      %dma_start3A_298 = arith.constant 1 : i32
      %dma_start3A_299 = arith.constant 160 : i32
      %dma_start3A_300 = arith.constant 0 : i32
      %dma_start3A_301 = tpu.memref_slice %arg7[%dma_start3A_297, %dma_start3A_298, %dma_start3A_299, %dma_start3A_300] : memref<2x2x200x128xf32, #tpu.memory_space<vmem>> -> memref<1x1x40x128xf32, #tpu.memory_space<vmem>>
      %dma_start3A_302 = tpu.memref_squeeze %dma_start3A_301 : memref<1x1x40x128xf32, #tpu.memory_space<vmem>> -> memref<40x128xf32, #tpu.memory_space<vmem>>
      %dma_start3A_303 = arith.constant 160 : i32
      %dma_start3A_304 = tpu.memref_slice %arg6[%dma_start3A_295, %dma_start3A_296, %dma_start3A_303] : memref<2x2x200xi32, #tpu.memory_space<vmem>> -> memref<1x1x40xi32, #tpu.memory_space<vmem>>
      %dma_start3A_305 = tpu.memref_squeeze %dma_start3A_304 : memref<1x1x40xi32, #tpu.memory_space<vmem>> -> memref<40xi32, #tpu.memory_space<vmem>>
      %dma_start3A_306 = arith.constant 0 : i32
      %dma_start3A_307 = arith.constant 0 : i32
      %dma_start3A_308 = tpu.memref_slice %arg2[%dma_start3A_306, %dma_start3A_307] : memref<1000000x128xf32, #tpu.memory_space<hbm>> -> memref<1000000x128xf32, #tpu.memory_space<hbm>>
      tpu.enqueue_indirect_dma source(%dma_start3A_308 : memref<1000000x128xf32, #tpu.memory_space<hbm>>) target(%dma_start3A_302 : memref<40x128xf32, #tpu.memory_space<vmem>>) offsets(%dma_start3A_305 : memref<40xi32, #tpu.memory_space<vmem>>) semaphore(%arg9 : memref<!tpu.dma_semaphore, #tpu.memory_space<semaphore_mem>>) {add = true}
      %sub3A = arith.constant 1 : i32
      %sub3A_309 = arith.subi %add3A_161, %sub3A : i32
      %ge3A_310 = arith.constant 1 : i32
      %ge3A_311 = arith.cmpi sge, %add3A_161, %ge3A_310 : i32
      %convert_element_type3A_312 = arith.extui %ge3A_311 : i1 to i32
      %cond3A_313 = arith.constant 0 : i32
      %cond3A_314 = arith.cmpi ne, %convert_element_type3A_312, %cond3A_313 : i32
      scf.if %cond3A_314 {
        %mul3A_478 = arith.constant 2 : i32
        %mul3A_479 = arith.muli %sub3A_309, %mul3A_478 : i32
        %add3A_480 = arith.addi %mul3A_2, %mul3A_479 : i32
        %dma_wait3A_481 = arith.constant 1 : i32
        %dma_wait3A_482 = arith.constant 0 : i32
        %dma_wait3A_483 = arith.constant 0 : i32
        %dma_wait3A_484 = arith.constant 0 : i32
        %dma_wait3A_485 = tpu.memref_slice %arg7[%dma_wait3A_481, %dma_wait3A_482, %dma_wait3A_483, %dma_wait3A_484] : memref<2x2x200x128xf32, #tpu.memory_space<vmem>> -> memref<1x2x200x128xf32, #tpu.memory_space<vmem>>
        %dma_wait3A_486 = tpu.memref_squeeze %dma_wait3A_485 : memref<1x2x200x128xf32, #tpu.memory_space<vmem>> -> memref<2x200x128xf32, #tpu.memory_space<vmem>>
        %dma_wait3A_487 = arith.constant 0 : i32
        %dma_wait3A_488 = arith.constant 0 : i32
        %dma_wait3A_489 = tpu.memref_slice %arg5[%add3A_480, %dma_wait3A_487, %dma_wait3A_488] : memref<4096x200x128xf32, #tpu.memory_space<hbm>> -> memref<2x200x128xf32, #tpu.memory_space<hbm>>
        %dma_wait3A_490 = arith.constant 0 : i32
        %dma_wait3A_491 = arith.constant 0 : i32
        %dma_wait3A_492 = arith.constant 0 : i32
        %dma_wait3A_493 = tpu.memref_slice %arg7[%dma_wait3A_481, %dma_wait3A_490, %dma_wait3A_491, %dma_wait3A_492] : memref<2x2x200x128xf32, #tpu.memory_space<vmem>> -> memref<1x2x200x128xf32, #tpu.memory_space<vmem>>
        %dma_wait3A_494 = tpu.memref_squeeze %dma_wait3A_493 : memref<1x2x200x128xf32, #tpu.memory_space<vmem>> -> memref<2x200x128xf32, #tpu.memory_space<vmem>>
        %dma_wait3A_495 = arith.constant 0 : i32
        %dma_wait3A_496 = arith.constant 0 : i32
        %dma_wait3A_497 = tpu.memref_slice %arg5[%add3A_480, %dma_wait3A_495, %dma_wait3A_496] : memref<4096x200x128xf32, #tpu.memory_space<hbm>> -> memref<2x200x128xf32, #tpu.memory_space<hbm>>
        tpu.wait_dma2 semaphore(%arg10 : memref<!tpu.dma_semaphore, #tpu.memory_space<semaphore_mem>>) src(%dma_wait3A_497 : memref<2x200x128xf32, #tpu.memory_space<hbm>>) dst(%dma_wait3A_494 : memref<2x200x128xf32, #tpu.memory_space<vmem>>)
        %mul3A_498 = arith.constant 2 : i32
        %mul3A_499 = arith.muli %sub3A_309, %mul3A_498 : i32
        %add3A_500 = arith.addi %mul3A_2, %mul3A_499 : i32
        %add3A_501 = arith.constant 0 : i32
        %add3A_502 = arith.addi %add3A_500, %add3A_501 : i32
        %dma_start3A_503 = arith.constant 1 : i32
        %dma_start3A_504 = arith.constant 0 : i32
        %dma_start3A_505 = arith.constant 0 : i32
        %dma_start3A_506 = arith.constant 0 : i32
        %dma_start3A_507 = tpu.memref_slice %arg7[%dma_start3A_503, %dma_start3A_504, %dma_start3A_505, %dma_start3A_506] : memref<2x2x200x128xf32, #tpu.memory_space<vmem>> -> memref<1x1x200x64xf32, #tpu.memory_space<vmem>>
        %dma_start3A_508 = tpu.memref_squeeze %dma_start3A_507 : memref<1x1x200x64xf32, #tpu.memory_space<vmem>> -> memref<200x64xf32, #tpu.memory_space<vmem>>
        %dma_start3A_509 = arith.constant 0 : i32
        %dma_start3A_510 = arith.constant 0 : i32
        %dma_start3A_511 = tpu.memref_slice %arg5[%add3A_502, %dma_start3A_509, %dma_start3A_510] : memref<4096x200x128xf32, #tpu.memory_space<hbm>> -> memref<1x200x64xf32, #tpu.memory_space<hbm>>
        %dma_start3A_512 = tpu.memref_squeeze %dma_start3A_511 : memref<1x200x64xf32, #tpu.memory_space<hbm>> -> memref<200x64xf32, #tpu.memory_space<hbm>>
        %dma_start3A_513 = arith.constant 0 : i32
        %dma_start3A_514 = arith.constant 0 : i32
        %dma_start3A_515 = tpu.memref_slice %arg5[%add3A_502, %dma_start3A_513, %dma_start3A_514] : memref<4096x200x128xf32, #tpu.memory_space<hbm>> -> memref<1x200x64xf32, #tpu.memory_space<hbm>>
        %dma_start3A_516 = tpu.memref_squeeze %dma_start3A_515 : memref<1x200x64xf32, #tpu.memory_space<hbm>> -> memref<200x64xf32, #tpu.memory_space<hbm>>
        %dma_start3A_517 = arith.constant 0 : i32
        %dma_start3A_518 = arith.constant 0 : i32
        %dma_start3A_519 = tpu.memref_slice %arg7[%dma_start3A_503, %dma_start3A_504, %dma_start3A_517, %dma_start3A_518] : memref<2x2x200x128xf32, #tpu.memory_space<vmem>> -> memref<1x1x200x64xf32, #tpu.memory_space<vmem>>
        %dma_start3A_520 = tpu.memref_squeeze %dma_start3A_519 : memref<1x1x200x64xf32, #tpu.memory_space<vmem>> -> memref<200x64xf32, #tpu.memory_space<vmem>>
        tpu.enqueue_dma source(%dma_start3A_520 : memref<200x64xf32, #tpu.memory_space<vmem>>) target(%dma_start3A_516 : memref<200x64xf32, #tpu.memory_space<hbm>>) target_semaphore(%arg12 : memref<!tpu.dma_semaphore, #tpu.memory_space<semaphore_mem>>)
        %mul3A_521 = arith.constant 2 : i32
        %mul3A_522 = arith.muli %sub3A_309, %mul3A_521 : i32
        %add3A_523 = arith.addi %mul3A_2, %mul3A_522 : i32
        %add3A_524 = arith.constant 1 : i32
        %add3A_525 = arith.addi %add3A_523, %add3A_524 : i32
        %dma_start3A_526 = arith.constant 1 : i32
        %dma_start3A_527 = arith.constant 1 : i32
        %dma_start3A_528 = arith.constant 0 : i32
        %dma_start3A_529 = arith.constant 0 : i32
        %dma_start3A_530 = tpu.memref_slice %arg7[%dma_start3A_526, %dma_start3A_527, %dma_start3A_528, %dma_start3A_529] : memref<2x2x200x128xf32, #tpu.memory_space<vmem>> -> memref<1x1x200x64xf32, #tpu.memory_space<vmem>>
        %dma_start3A_531 = tpu.memref_squeeze %dma_start3A_530 : memref<1x1x200x64xf32, #tpu.memory_space<vmem>> -> memref<200x64xf32, #tpu.memory_space<vmem>>
        %dma_start3A_532 = arith.constant 0 : i32
        %dma_start3A_533 = arith.constant 0 : i32
        %dma_start3A_534 = tpu.memref_slice %arg5[%add3A_525, %dma_start3A_532, %dma_start3A_533] : memref<4096x200x128xf32, #tpu.memory_space<hbm>> -> memref<1x200x64xf32, #tpu.memory_space<hbm>>
        %dma_start3A_535 = tpu.memref_squeeze %dma_start3A_534 : memref<1x200x64xf32, #tpu.memory_space<hbm>> -> memref<200x64xf32, #tpu.memory_space<hbm>>
        %dma_start3A_536 = arith.constant 0 : i32
        %dma_start3A_537 = arith.constant 0 : i32
        %dma_start3A_538 = tpu.memref_slice %arg5[%add3A_525, %dma_start3A_536, %dma_start3A_537] : memref<4096x200x128xf32, #tpu.memory_space<hbm>> -> memref<1x200x64xf32, #tpu.memory_space<hbm>>
        %dma_start3A_539 = tpu.memref_squeeze %dma_start3A_538 : memref<1x200x64xf32, #tpu.memory_space<hbm>> -> memref<200x64xf32, #tpu.memory_space<hbm>>
        %dma_start3A_540 = arith.constant 0 : i32
        %dma_start3A_541 = arith.constant 0 : i32
        %dma_start3A_542 = tpu.memref_slice %arg7[%dma_start3A_526, %dma_start3A_527, %dma_start3A_540, %dma_start3A_541] : memref<2x2x200x128xf32, #tpu.memory_space<vmem>> -> memref<1x1x200x64xf32, #tpu.memory_space<vmem>>
        %dma_start3A_543 = tpu.memref_squeeze %dma_start3A_542 : memref<1x1x200x64xf32, #tpu.memory_space<vmem>> -> memref<200x64xf32, #tpu.memory_space<vmem>>
        tpu.enqueue_dma source(%dma_start3A_543 : memref<200x64xf32, #tpu.memory_space<vmem>>) target(%dma_start3A_539 : memref<200x64xf32, #tpu.memory_space<hbm>>) target_semaphore(%arg12 : memref<!tpu.dma_semaphore, #tpu.memory_space<semaphore_mem>>)
      } else {
      }
      %mul3A_315 = arith.constant 2 : i32
      %mul3A_316 = arith.muli %scan3A_157, %mul3A_315 : i32
      %add3A_317 = arith.constant 1 : i32
      %add3A_318 = arith.addi %mul3A_316, %add3A_317 : i32
      %ge3A_319 = arith.constant 1 : i32
      %ge3A_320 = arith.cmpi sge, %scan3A_157, %ge3A_319 : i32
      %convert_element_type3A_321 = arith.extui %ge3A_320 : i1 to i32
      %cond3A_322 = arith.constant 0 : i32
      %cond3A_323 = arith.cmpi ne, %convert_element_type3A_321, %cond3A_322 : i32
      scf.if %cond3A_323 {
        %sub3A_478 = arith.constant 2 : i32
        %sub3A_479 = arith.subi %add3A_318, %sub3A_478 : i32
        %mul3A_480 = arith.constant 2 : i32
        %mul3A_481 = arith.muli %sub3A_479, %mul3A_480 : i32
        %add3A_482 = arith.addi %mul3A_2, %mul3A_481 : i32
        %add3A_483 = arith.constant 0 : i32
        %add3A_484 = arith.addi %add3A_482, %add3A_483 : i32
        %dma_wait3A_485 = arith.constant 1 : i32
        %dma_wait3A_486 = arith.constant 0 : i32
        %dma_wait3A_487 = arith.constant 0 : i32
        %dma_wait3A_488 = arith.constant 0 : i32
        %dma_wait3A_489 = tpu.memref_slice %arg7[%dma_wait3A_485, %dma_wait3A_486, %dma_wait3A_487, %dma_wait3A_488] : memref<2x2x200x128xf32, #tpu.memory_space<vmem>> -> memref<1x1x200x64xf32, #tpu.memory_space<vmem>>
        %dma_wait3A_490 = tpu.memref_squeeze %dma_wait3A_489 : memref<1x1x200x64xf32, #tpu.memory_space<vmem>> -> memref<200x64xf32, #tpu.memory_space<vmem>>
        %dma_wait3A_491 = arith.constant 0 : i32
        %dma_wait3A_492 = arith.constant 0 : i32
        %dma_wait3A_493 = tpu.memref_slice %arg5[%add3A_484, %dma_wait3A_491, %dma_wait3A_492] : memref<4096x200x128xf32, #tpu.memory_space<hbm>> -> memref<1x200x64xf32, #tpu.memory_space<hbm>>
        %dma_wait3A_494 = tpu.memref_squeeze %dma_wait3A_493 : memref<1x200x64xf32, #tpu.memory_space<hbm>> -> memref<200x64xf32, #tpu.memory_space<hbm>>
        %dma_wait3A_495 = arith.constant 0 : i32
        %dma_wait3A_496 = arith.constant 0 : i32
        %dma_wait3A_497 = tpu.memref_slice %arg5[%add3A_484, %dma_wait3A_495, %dma_wait3A_496] : memref<4096x200x128xf32, #tpu.memory_space<hbm>> -> memref<1x200x64xf32, #tpu.memory_space<hbm>>
        %dma_wait3A_498 = tpu.memref_squeeze %dma_wait3A_497 : memref<1x200x64xf32, #tpu.memory_space<hbm>> -> memref<200x64xf32, #tpu.memory_space<hbm>>
        %dma_wait3A_499 = arith.constant 0 : i32
        %dma_wait3A_500 = arith.constant 0 : i32
        %dma_wait3A_501 = tpu.memref_slice %arg7[%dma_wait3A_485, %dma_wait3A_486, %dma_wait3A_499, %dma_wait3A_500] : memref<2x2x200x128xf32, #tpu.memory_space<vmem>> -> memref<1x1x200x64xf32, #tpu.memory_space<vmem>>
        %dma_wait3A_502 = tpu.memref_squeeze %dma_wait3A_501 : memref<1x1x200x64xf32, #tpu.memory_space<vmem>> -> memref<200x64xf32, #tpu.memory_space<vmem>>
        tpu.wait_dma2 semaphore(%arg12 : memref<!tpu.dma_semaphore, #tpu.memory_space<semaphore_mem>>) src(%dma_wait3A_502 : memref<200x64xf32, #tpu.memory_space<vmem>>) dst(%dma_wait3A_498 : memref<200x64xf32, #tpu.memory_space<hbm>>)
        %mul3A_503 = arith.constant 2 : i32
        %mul3A_504 = arith.muli %sub3A_479, %mul3A_503 : i32
        %add3A_505 = arith.addi %mul3A_2, %mul3A_504 : i32
        %add3A_506 = arith.constant 1 : i32
        %add3A_507 = arith.addi %add3A_505, %add3A_506 : i32
        %dma_wait3A_508 = arith.constant 1 : i32
        %dma_wait3A_509 = arith.constant 1 : i32
        %dma_wait3A_510 = arith.constant 0 : i32
        %dma_wait3A_511 = arith.constant 0 : i32
        %dma_wait3A_512 = tpu.memref_slice %arg7[%dma_wait3A_508, %dma_wait3A_509, %dma_wait3A_510, %dma_wait3A_511] : memref<2x2x200x128xf32, #tpu.memory_space<vmem>> -> memref<1x1x200x64xf32, #tpu.memory_space<vmem>>
        %dma_wait3A_513 = tpu.memref_squeeze %dma_wait3A_512 : memref<1x1x200x64xf32, #tpu.memory_space<vmem>> -> memref<200x64xf32, #tpu.memory_space<vmem>>
        %dma_wait3A_514 = arith.constant 0 : i32
        %dma_wait3A_515 = arith.constant 0 : i32
        %dma_wait3A_516 = tpu.memref_slice %arg5[%add3A_507, %dma_wait3A_514, %dma_wait3A_515] : memref<4096x200x128xf32, #tpu.memory_space<hbm>> -> memref<1x200x64xf32, #tpu.memory_space<hbm>>
        %dma_wait3A_517 = tpu.memref_squeeze %dma_wait3A_516 : memref<1x200x64xf32, #tpu.memory_space<hbm>> -> memref<200x64xf32, #tpu.memory_space<hbm>>
        %dma_wait3A_518 = arith.constant 0 : i32
        %dma_wait3A_519 = arith.constant 0 : i32
        %dma_wait3A_520 = tpu.memref_slice %arg5[%add3A_507, %dma_wait3A_518, %dma_wait3A_519] : memref<4096x200x128xf32, #tpu.memory_space<hbm>> -> memref<1x200x64xf32, #tpu.memory_space<hbm>>
        %dma_wait3A_521 = tpu.memref_squeeze %dma_wait3A_520 : memref<1x200x64xf32, #tpu.memory_space<hbm>> -> memref<200x64xf32, #tpu.memory_space<hbm>>
        %dma_wait3A_522 = arith.constant 0 : i32
        %dma_wait3A_523 = arith.constant 0 : i32
        %dma_wait3A_524 = tpu.memref_slice %arg7[%dma_wait3A_508, %dma_wait3A_509, %dma_wait3A_522, %dma_wait3A_523] : memref<2x2x200x128xf32, #tpu.memory_space<vmem>> -> memref<1x1x200x64xf32, #tpu.memory_space<vmem>>
        %dma_wait3A_525 = tpu.memref_squeeze %dma_wait3A_524 : memref<1x1x200x64xf32, #tpu.memory_space<vmem>> -> memref<200x64xf32, #tpu.memory_space<vmem>>
        tpu.wait_dma2 semaphore(%arg12 : memref<!tpu.dma_semaphore, #tpu.memory_space<semaphore_mem>>) src(%dma_wait3A_525 : memref<200x64xf32, #tpu.memory_space<vmem>>) dst(%dma_wait3A_521 : memref<200x64xf32, #tpu.memory_space<hbm>>)
      } else {
      }
      %mul3A_324 = arith.constant 2 : i32
      %mul3A_325 = arith.muli %add3A_318, %mul3A_324 : i32
      %add3A_326 = arith.addi %mul3A_2, %mul3A_325 : i32
      %run_scoped3A_327 = arith.constant 1 : i32
      "tpu.region"() ({
        %run_scoped3A_478 = tpu.sem_alloc : memref<!tpu.dma_semaphore, #tpu.memory_space<semaphore_mem>>
        %dma_start3A_479 = arith.constant 0 : i32
        %dma_start3A_480 = arith.constant 0 : i32
        %dma_start3A_481 = tpu.memref_slice %arg6[%run_scoped3A_327, %dma_start3A_479, %dma_start3A_480] : memref<2x2x200xi32, #tpu.memory_space<vmem>> -> memref<1x2x200xi32, #tpu.memory_space<vmem>>
        %dma_start3A_482 = tpu.memref_squeeze %dma_start3A_481 : memref<1x2x200xi32, #tpu.memory_space<vmem>> -> memref<2x200xi32, #tpu.memory_space<vmem>>
        %dma_start3A_483 = arith.constant 0 : i32
        %dma_start3A_484 = tpu.memref_slice %arg3[%add3A_326, %dma_start3A_483] : memref<4096x200xi32, #tpu.memory_space<hbm>> -> memref<2x200xi32, #tpu.memory_space<hbm>>
        %dma_start3A_485 = arith.constant 0 : i32
        %dma_start3A_486 = arith.constant 0 : i32
        %dma_start3A_487 = tpu.memref_slice %arg6[%run_scoped3A_327, %dma_start3A_485, %dma_start3A_486] : memref<2x2x200xi32, #tpu.memory_space<vmem>> -> memref<1x2x200xi32, #tpu.memory_space<vmem>>
        %dma_start3A_488 = tpu.memref_squeeze %dma_start3A_487 : memref<1x2x200xi32, #tpu.memory_space<vmem>> -> memref<2x200xi32, #tpu.memory_space<vmem>>
        %dma_start3A_489 = arith.constant 0 : i32
        %dma_start3A_490 = tpu.memref_slice %arg3[%add3A_326, %dma_start3A_489] : memref<4096x200xi32, #tpu.memory_space<hbm>> -> memref<2x200xi32, #tpu.memory_space<hbm>>
        tpu.enqueue_dma source(%dma_start3A_490 : memref<2x200xi32, #tpu.memory_space<hbm>>) target(%dma_start3A_488 : memref<2x200xi32, #tpu.memory_space<vmem>>) target_semaphore(%run_scoped3A_478 : memref<!tpu.dma_semaphore, #tpu.memory_space<semaphore_mem>>)
        %dma_wait3A_491 = arith.constant 0 : i32
        %dma_wait3A_492 = arith.constant 0 : i32
        %dma_wait3A_493 = tpu.memref_slice %arg6[%run_scoped3A_327, %dma_wait3A_491, %dma_wait3A_492] : memref<2x2x200xi32, #tpu.memory_space<vmem>> -> memref<1x2x200xi32, #tpu.memory_space<vmem>>
        %dma_wait3A_494 = tpu.memref_squeeze %dma_wait3A_493 : memref<1x2x200xi32, #tpu.memory_space<vmem>> -> memref<2x200xi32, #tpu.memory_space<vmem>>
        %dma_wait3A_495 = arith.constant 0 : i32
        %dma_wait3A_496 = tpu.memref_slice %arg3[%add3A_326, %dma_wait3A_495] : memref<4096x200xi32, #tpu.memory_space<hbm>> -> memref<2x200xi32, #tpu.memory_space<hbm>>
        %dma_wait3A_497 = arith.constant 0 : i32
        %dma_wait3A_498 = arith.constant 0 : i32
        %dma_wait3A_499 = tpu.memref_slice %arg6[%run_scoped3A_327, %dma_wait3A_497, %dma_wait3A_498] : memref<2x2x200xi32, #tpu.memory_space<vmem>> -> memref<1x2x200xi32, #tpu.memory_space<vmem>>
        %dma_wait3A_500 = tpu.memref_squeeze %dma_wait3A_499 : memref<1x2x200xi32, #tpu.memory_space<vmem>> -> memref<2x200xi32, #tpu.memory_space<vmem>>
        %dma_wait3A_501 = arith.constant 0 : i32
        %dma_wait3A_502 = tpu.memref_slice %arg3[%add3A_326, %dma_wait3A_501] : memref<4096x200xi32, #tpu.memory_space<hbm>> -> memref<2x200xi32, #tpu.memory_space<hbm>>
        tpu.wait_dma2 semaphore(%run_scoped3A_478 : memref<!tpu.dma_semaphore, #tpu.memory_space<semaphore_mem>>) src(%dma_wait3A_502 : memref<2x200xi32, #tpu.memory_space<hbm>>) dst(%dma_wait3A_500 : memref<2x200xi32, #tpu.memory_space<vmem>>)
        tpu.yield
      }) : () -> ()
      %parallel_loop3A_328 = arith.constant 0 : i32
      %parallel_loop3A_329 = arith.constant 200 : i32
      %parallel_loop3A_330 = arith.constant 1 : i32
      scf.for %parallel_loop3A_478 = %parallel_loop3A_328 to %parallel_loop3A_329 step %parallel_loop3A_330  : i32 {
        %parallel_loop3A_479 = arith.index_cast %parallel_loop3A_478 : i32 to index
        %parallel_loop3A_480 = arith.constant 0 : index
        %parallel_loop3A_481 = tpu.vector_load %arg8[%parallel_loop3A_479, %parallel_loop3A_480] {strides = array<i32>} : memref<200x64xf32, #tpu.memory_space<vmem>>, vector<1x16xf32>,
        %parallel_loop3A_482 = vector.shape_cast %parallel_loop3A_481 : vector<1x16xf32> to vector<16xf32>
        %parallel_loop3A_483 = arith.constant 1 : i32
        %parallel_loop3A_484 = arith.constant 0 : i32
        %parallel_loop3A_485 = arith.index_cast %parallel_loop3A_483 : i32 to index
        %parallel_loop3A_486 = arith.index_cast %parallel_loop3A_484 : i32 to index
        %parallel_loop3A_487 = arith.index_cast %parallel_loop3A_478 : i32 to index
        %parallel_loop3A_488 = arith.constant 0 : index
        %parallel_loop3A_489 = tpu.vector_load %arg7[%parallel_loop3A_485, %parallel_loop3A_486, %parallel_loop3A_487, %parallel_loop3A_488] {strides = array<i32>} : memref<2x2x200x128xf32, #tpu.memory_space<vmem>>, vector<1x1x1x16xf32>,
        %parallel_loop3A_490 = vector.shape_cast %parallel_loop3A_489 : vector<1x1x1x16xf32> to vector<16xf32>
        %parallel_loop3A_491 = vector.shape_cast %parallel_loop3A_482 : vector<16xf32> to vector<1x1x1x16xf32>
        tpu.vector_store %arg7[%parallel_loop3A_485, %parallel_loop3A_486, %parallel_loop3A_487, %parallel_loop3A_488], %parallel_loop3A_491 {strides = array<i32>} : memref<2x2x200x128xf32, #tpu.memory_space<vmem>>, vector<1x1x1x16xf32>,
        %parallel_loop3A_492 = arith.index_cast %parallel_loop3A_478 : i32 to index
        %parallel_loop3A_493 = arith.constant 16 : index
        %parallel_loop3A_494 = tpu.vector_load %arg8[%parallel_loop3A_492, %parallel_loop3A_493] {strides = array<i32>} : memref<200x64xf32, #tpu.memory_space<vmem>>, vector<1x16xf32>,
        %parallel_loop3A_495 = vector.shape_cast %parallel_loop3A_494 : vector<1x16xf32> to vector<16xf32>
        %parallel_loop3A_496 = arith.constant 1 : i32
        %parallel_loop3A_497 = arith.constant 0 : i32
        %parallel_loop3A_498 = arith.index_cast %parallel_loop3A_496 : i32 to index
        %parallel_loop3A_499 = arith.index_cast %parallel_loop3A_497 : i32 to index
        %parallel_loop3A_500 = arith.index_cast %parallel_loop3A_478 : i32 to index
        %parallel_loop3A_501 = arith.constant 16 : index
        %parallel_loop3A_502 = tpu.vector_load %arg7[%parallel_loop3A_498, %parallel_loop3A_499, %parallel_loop3A_500, %parallel_loop3A_501] {strides = array<i32>} : memref<2x2x200x128xf32, #tpu.memory_space<vmem>>, vector<1x1x1x16xf32>,
        %parallel_loop3A_503 = vector.shape_cast %parallel_loop3A_502 : vector<1x1x1x16xf32> to vector<16xf32>
        %parallel_loop3A_504 = vector.shape_cast %parallel_loop3A_495 : vector<16xf32> to vector<1x1x1x16xf32>
        tpu.vector_store %arg7[%parallel_loop3A_498, %parallel_loop3A_499, %parallel_loop3A_500, %parallel_loop3A_501], %parallel_loop3A_504 {strides = array<i32>} : memref<2x2x200x128xf32, #tpu.memory_space<vmem>>, vector<1x1x1x16xf32>,
        %parallel_loop3A_505 = arith.index_cast %parallel_loop3A_478 : i32 to index
        %parallel_loop3A_506 = arith.constant 32 : index
        %parallel_loop3A_507 = tpu.vector_load %arg8[%parallel_loop3A_505, %parallel_loop3A_506] {strides = array<i32>} : memref<200x64xf32, #tpu.memory_space<vmem>>, vector<1x16xf32>,
        %parallel_loop3A_508 = vector.shape_cast %parallel_loop3A_507 : vector<1x16xf32> to vector<16xf32>
        %parallel_loop3A_509 = arith.constant 1 : i32
        %parallel_loop3A_510 = arith.constant 0 : i32
        %parallel_loop3A_511 = arith.index_cast %parallel_loop3A_509 : i32 to index
        %parallel_loop3A_512 = arith.index_cast %parallel_loop3A_510 : i32 to index
        %parallel_loop3A_513 = arith.index_cast %parallel_loop3A_478 : i32 to index
        %parallel_loop3A_514 = arith.constant 32 : index
        %parallel_loop3A_515 = tpu.vector_load %arg7[%parallel_loop3A_511, %parallel_loop3A_512, %parallel_loop3A_513, %parallel_loop3A_514] {strides = array<i32>} : memref<2x2x200x128xf32, #tpu.memory_space<vmem>>, vector<1x1x1x16xf32>,
        %parallel_loop3A_516 = vector.shape_cast %parallel_loop3A_515 : vector<1x1x1x16xf32> to vector<16xf32>
        %parallel_loop3A_517 = vector.shape_cast %parallel_loop3A_508 : vector<16xf32> to vector<1x1x1x16xf32>
        tpu.vector_store %arg7[%parallel_loop3A_511, %parallel_loop3A_512, %parallel_loop3A_513, %parallel_loop3A_514], %parallel_loop3A_517 {strides = array<i32>} : memref<2x2x200x128xf32, #tpu.memory_space<vmem>>, vector<1x1x1x16xf32>,
        %parallel_loop3A_518 = arith.index_cast %parallel_loop3A_478 : i32 to index
        %parallel_loop3A_519 = arith.constant 48 : index
        %parallel_loop3A_520 = tpu.vector_load %arg8[%parallel_loop3A_518, %parallel_loop3A_519] {strides = array<i32>} : memref<200x64xf32, #tpu.memory_space<vmem>>, vector<1x16xf32>,
        %parallel_loop3A_521 = vector.shape_cast %parallel_loop3A_520 : vector<1x16xf32> to vector<16xf32>
        %parallel_loop3A_522 = arith.constant 1 : i32
        %parallel_loop3A_523 = arith.constant 0 : i32
        %parallel_loop3A_524 = arith.index_cast %parallel_loop3A_522 : i32 to index
        %parallel_loop3A_525 = arith.index_cast %parallel_loop3A_523 : i32 to index
        %parallel_loop3A_526 = arith.index_cast %parallel_loop3A_478 : i32 to index
        %parallel_loop3A_527 = arith.constant 48 : index
        %parallel_loop3A_528 = tpu.vector_load %arg7[%parallel_loop3A_524, %parallel_loop3A_525, %parallel_loop3A_526, %parallel_loop3A_527] {strides = array<i32>} : memref<2x2x200x128xf32, #tpu.memory_space<vmem>>, vector<1x1x1x16xf32>,
        %parallel_loop3A_529 = vector.shape_cast %parallel_loop3A_528 : vector<1x1x1x16xf32> to vector<16xf32>
        %parallel_loop3A_530 = vector.shape_cast %parallel_loop3A_521 : vector<16xf32> to vector<1x1x1x16xf32>
        tpu.vector_store %arg7[%parallel_loop3A_524, %parallel_loop3A_525, %parallel_loop3A_526, %parallel_loop3A_527], %parallel_loop3A_530 {strides = array<i32>} : memref<2x2x200x128xf32, #tpu.memory_space<vmem>>, vector<1x1x1x16xf32>,
        %parallel_loop3A_531 = arith.index_cast %parallel_loop3A_478 : i32 to index
        %parallel_loop3A_532 = arith.constant 0 : index
        %parallel_loop3A_533 = tpu.vector_load %arg8[%parallel_loop3A_531, %parallel_loop3A_532] {strides = array<i32>} : memref<200x64xf32, #tpu.memory_space<vmem>>, vector<1x16xf32>,
        %parallel_loop3A_534 = vector.shape_cast %parallel_loop3A_533 : vector<1x16xf32> to vector<16xf32>
        %parallel_loop3A_535 = arith.constant 1 : i32
        %parallel_loop3A_536 = arith.constant 1 : i32
        %parallel_loop3A_537 = arith.index_cast %parallel_loop3A_535 : i32 to index
        %parallel_loop3A_538 = arith.index_cast %parallel_loop3A_536 : i32 to index
        %parallel_loop3A_539 = arith.index_cast %parallel_loop3A_478 : i32 to index
        %parallel_loop3A_540 = arith.constant 0 : index
        %parallel_loop3A_541 = tpu.vector_load %arg7[%parallel_loop3A_537, %parallel_loop3A_538, %parallel_loop3A_539, %parallel_loop3A_540] {strides = array<i32>} : memref<2x2x200x128xf32, #tpu.memory_space<vmem>>, vector<1x1x1x16xf32>,
        %parallel_loop3A_542 = vector.shape_cast %parallel_loop3A_541 : vector<1x1x1x16xf32> to vector<16xf32>
        %parallel_loop3A_543 = vector.shape_cast %parallel_loop3A_534 : vector<16xf32> to vector<1x1x1x16xf32>
        tpu.vector_store %arg7[%parallel_loop3A_537, %parallel_loop3A_538, %parallel_loop3A_539, %parallel_loop3A_540], %parallel_loop3A_543 {strides = array<i32>} : memref<2x2x200x128xf32, #tpu.memory_space<vmem>>, vector<1x1x1x16xf32>,
        %parallel_loop3A_544 = arith.index_cast %parallel_loop3A_478 : i32 to index
        %parallel_loop3A_545 = arith.constant 16 : index
        %parallel_loop3A_546 = tpu.vector_load %arg8[%parallel_loop3A_544, %parallel_loop3A_545] {strides = array<i32>} : memref<200x64xf32, #tpu.memory_space<vmem>>, vector<1x16xf32>,
        %parallel_loop3A_547 = vector.shape_cast %parallel_loop3A_546 : vector<1x16xf32> to vector<16xf32>
        %parallel_loop3A_548 = arith.constant 1 : i32
        %parallel_loop3A_549 = arith.constant 1 : i32
        %parallel_loop3A_550 = arith.index_cast %parallel_loop3A_548 : i32 to index
        %parallel_loop3A_551 = arith.index_cast %parallel_loop3A_549 : i32 to index
        %parallel_loop3A_552 = arith.index_cast %parallel_loop3A_478 : i32 to index
        %parallel_loop3A_553 = arith.constant 16 : index
        %parallel_loop3A_554 = tpu.vector_load %arg7[%parallel_loop3A_550, %parallel_loop3A_551, %parallel_loop3A_552, %parallel_loop3A_553] {strides = array<i32>} : memref<2x2x200x128xf32, #tpu.memory_space<vmem>>, vector<1x1x1x16xf32>,
        %parallel_loop3A_555 = vector.shape_cast %parallel_loop3A_554 : vector<1x1x1x16xf32> to vector<16xf32>
        %parallel_loop3A_556 = vector.shape_cast %parallel_loop3A_547 : vector<16xf32> to vector<1x1x1x16xf32>
        tpu.vector_store %arg7[%parallel_loop3A_550, %parallel_loop3A_551, %parallel_loop3A_552, %parallel_loop3A_553], %parallel_loop3A_556 {strides = array<i32>} : memref<2x2x200x128xf32, #tpu.memory_space<vmem>>, vector<1x1x1x16xf32>,
        %parallel_loop3A_557 = arith.index_cast %parallel_loop3A_478 : i32 to index
        %parallel_loop3A_558 = arith.constant 32 : index
        %parallel_loop3A_559 = tpu.vector_load %arg8[%parallel_loop3A_557, %parallel_loop3A_558] {strides = array<i32>} : memref<200x64xf32, #tpu.memory_space<vmem>>, vector<1x16xf32>,
        %parallel_loop3A_560 = vector.shape_cast %parallel_loop3A_559 : vector<1x16xf32> to vector<16xf32>
        %parallel_loop3A_561 = arith.constant 1 : i32
        %parallel_loop3A_562 = arith.constant 1 : i32
        %parallel_loop3A_563 = arith.index_cast %parallel_loop3A_561 : i32 to index
        %parallel_loop3A_564 = arith.index_cast %parallel_loop3A_562 : i32 to index
        %parallel_loop3A_565 = arith.index_cast %parallel_loop3A_478 : i32 to index
        %parallel_loop3A_566 = arith.constant 32 : index
        %parallel_loop3A_567 = tpu.vector_load %arg7[%parallel_loop3A_563, %parallel_loop3A_564, %parallel_loop3A_565, %parallel_loop3A_566] {strides = array<i32>} : memref<2x2x200x128xf32, #tpu.memory_space<vmem>>, vector<1x1x1x16xf32>,
        %parallel_loop3A_568 = vector.shape_cast %parallel_loop3A_567 : vector<1x1x1x16xf32> to vector<16xf32>
        %parallel_loop3A_569 = vector.shape_cast %parallel_loop3A_560 : vector<16xf32> to vector<1x1x1x16xf32>
        tpu.vector_store %arg7[%parallel_loop3A_563, %parallel_loop3A_564, %parallel_loop3A_565, %parallel_loop3A_566], %parallel_loop3A_569 {strides = array<i32>} : memref<2x2x200x128xf32, #tpu.memory_space<vmem>>, vector<1x1x1x16xf32>,
        %parallel_loop3A_570 = arith.index_cast %parallel_loop3A_478 : i32 to index
        %parallel_loop3A_571 = arith.constant 48 : index
        %parallel_loop3A_572 = tpu.vector_load %arg8[%parallel_loop3A_570, %parallel_loop3A_571] {strides = array<i32>} : memref<200x64xf32, #tpu.memory_space<vmem>>, vector<1x16xf32>,
        %parallel_loop3A_573 = vector.shape_cast %parallel_loop3A_572 : vector<1x16xf32> to vector<16xf32>
        %parallel_loop3A_574 = arith.constant 1 : i32
        %parallel_loop3A_575 = arith.constant 1 : i32
        %parallel_loop3A_576 = arith.index_cast %parallel_loop3A_574 : i32 to index
        %parallel_loop3A_577 = arith.index_cast %parallel_loop3A_575 : i32 to index
        %parallel_loop3A_578 = arith.index_cast %parallel_loop3A_478 : i32 to index
        %parallel_loop3A_579 = arith.constant 48 : index
        %parallel_loop3A_580 = tpu.vector_load %arg7[%parallel_loop3A_576, %parallel_loop3A_577, %parallel_loop3A_578, %parallel_loop3A_579] {strides = array<i32>} : memref<2x2x200x128xf32, #tpu.memory_space<vmem>>, vector<1x1x1x16xf32>,
        %parallel_loop3A_581 = vector.shape_cast %parallel_loop3A_580 : vector<1x1x1x16xf32> to vector<16xf32>
        %parallel_loop3A_582 = vector.shape_cast %parallel_loop3A_573 : vector<16xf32> to vector<1x1x1x16xf32>
        tpu.vector_store %arg7[%parallel_loop3A_576, %parallel_loop3A_577, %parallel_loop3A_578, %parallel_loop3A_579], %parallel_loop3A_582 {strides = array<i32>} : memref<2x2x200x128xf32, #tpu.memory_space<vmem>>, vector<1x1x1x16xf32>,
      } {sc.loop_unroll_factor = 8 : i64, sc.parallel_access}
      %dma_start3A_331 = arith.constant 1 : i32
      %dma_start3A_332 = arith.constant 0 : i32
      %dma_start3A_333 = arith.constant 1 : i32
      %dma_start3A_334 = arith.constant 0 : i32
      %dma_start3A_335 = arith.constant 0 : i32
      %dma_start3A_336 = arith.constant 0 : i32
      %dma_start3A_337 = tpu.memref_slice %arg7[%dma_start3A_333, %dma_start3A_334, %dma_start3A_335, %dma_start3A_336] : memref<2x2x200x128xf32, #tpu.memory_space<vmem>> -> memref<1x1x40x128xf32, #tpu.memory_space<vmem>>
      %dma_start3A_338 = tpu.memref_squeeze %dma_start3A_337 : memref<1x1x40x128xf32, #tpu.memory_space<vmem>> -> memref<40x128xf32, #tpu.memory_space<vmem>>
      %dma_start3A_339 = arith.constant 0 : i32
      %dma_start3A_340 = tpu.memref_slice %arg6[%dma_start3A_331, %dma_start3A_332, %dma_start3A_339] : memref<2x2x200xi32, #tpu.memory_space<vmem>> -> memref<1x1x40xi32, #tpu.memory_space<vmem>>
      %dma_start3A_341 = tpu.memref_squeeze %dma_start3A_340 : memref<1x1x40xi32, #tpu.memory_space<vmem>> -> memref<40xi32, #tpu.memory_space<vmem>>
      %dma_start3A_342 = arith.constant 0 : i32
      %dma_start3A_343 = arith.constant 0 : i32
      %dma_start3A_344 = tpu.memref_slice %arg2[%dma_start3A_342, %dma_start3A_343] : memref<1000000x128xf32, #tpu.memory_space<hbm>> -> memref<1000000x128xf32, #tpu.memory_space<hbm>>
      tpu.enqueue_indirect_dma source(%dma_start3A_344 : memref<1000000x128xf32, #tpu.memory_space<hbm>>) target(%dma_start3A_338 : memref<40x128xf32, #tpu.memory_space<vmem>>) offsets(%dma_start3A_341 : memref<40xi32, #tpu.memory_space<vmem>>) semaphore(%arg10 : memref<!tpu.dma_semaphore, #tpu.memory_space<semaphore_mem>>) {add = true}
      %dma_start3A_345 = arith.constant 1 : i32
      %dma_start3A_346 = arith.constant 0 : i32
      %dma_start3A_347 = arith.constant 1 : i32
      %dma_start3A_348 = arith.constant 0 : i32
      %dma_start3A_349 = arith.constant 40 : i32
      %dma_start3A_350 = arith.constant 0 : i32
      %dma_start3A_351 = tpu.memref_slice %arg7[%dma_start3A_347, %dma_start3A_348, %dma_start3A_349, %dma_start3A_350] : memref<2x2x200x128xf32, #tpu.memory_space<vmem>> -> memref<1x1x40x128xf32, #tpu.memory_space<vmem>>
      %dma_start3A_352 = tpu.memref_squeeze %dma_start3A_351 : memref<1x1x40x128xf32, #tpu.memory_space<vmem>> -> memref<40x128xf32, #tpu.memory_space<vmem>>
      %dma_start3A_353 = arith.constant 40 : i32
      %dma_start3A_354 = tpu.memref_slice %arg6[%dma_start3A_345, %dma_start3A_346, %dma_start3A_353] : memref<2x2x200xi32, #tpu.memory_space<vmem>> -> memref<1x1x40xi32, #tpu.memory_space<vmem>>
      %dma_start3A_355 = tpu.memref_squeeze %dma_start3A_354 : memref<1x1x40xi32, #tpu.memory_space<vmem>> -> memref<40xi32, #tpu.memory_space<vmem>>
      %dma_start3A_356 = arith.constant 0 : i32
      %dma_start3A_357 = arith.constant 0 : i32
      %dma_start3A_358 = tpu.memref_slice %arg2[%dma_start3A_356, %dma_start3A_357] : memref<1000000x128xf32, #tpu.memory_space<hbm>> -> memref<1000000x128xf32, #tpu.memory_space<hbm>>
      tpu.enqueue_indirect_dma source(%dma_start3A_358 : memref<1000000x128xf32, #tpu.memory_space<hbm>>) target(%dma_start3A_352 : memref<40x128xf32, #tpu.memory_space<vmem>>) offsets(%dma_start3A_355 : memref<40xi32, #tpu.memory_space<vmem>>) semaphore(%arg10 : memref<!tpu.dma_semaphore, #tpu.memory_space<semaphore_mem>>) {add = true}
      %dma_start3A_359 = arith.constant 1 : i32
      %dma_start3A_360 = arith.constant 0 : i32
      %dma_start3A_361 = arith.constant 1 : i32
      %dma_start3A_362 = arith.constant 0 : i32
      %dma_start3A_363 = arith.constant 80 : i32
      %dma_start3A_364 = arith.constant 0 : i32
      %dma_start3A_365 = tpu.memref_slice %arg7[%dma_start3A_361, %dma_start3A_362, %dma_start3A_363, %dma_start3A_364] : memref<2x2x200x128xf32, #tpu.memory_space<vmem>> -> memref<1x1x40x128xf32, #tpu.memory_space<vmem>>
      %dma_start3A_366 = tpu.memref_squeeze %dma_start3A_365 : memref<1x1x40x128xf32, #tpu.memory_space<vmem>> -> memref<40x128xf32, #tpu.memory_space<vmem>>
      %dma_start3A_367 = arith.constant 80 : i32
      %dma_start3A_368 = tpu.memref_slice %arg6[%dma_start3A_359, %dma_start3A_360, %dma_start3A_367] : memref<2x2x200xi32, #tpu.memory_space<vmem>> -> memref<1x1x40xi32, #tpu.memory_space<vmem>>
      %dma_start3A_369 = tpu.memref_squeeze %dma_start3A_368 : memref<1x1x40xi32, #tpu.memory_space<vmem>> -> memref<40xi32, #tpu.memory_space<vmem>>
      %dma_start3A_370 = arith.constant 0 : i32
      %dma_start3A_371 = arith.constant 0 : i32
      %dma_start3A_372 = tpu.memref_slice %arg2[%dma_start3A_370, %dma_start3A_371] : memref<1000000x128xf32, #tpu.memory_space<hbm>> -> memref<1000000x128xf32, #tpu.memory_space<hbm>>
      tpu.enqueue_indirect_dma source(%dma_start3A_372 : memref<1000000x128xf32, #tpu.memory_space<hbm>>) target(%dma_start3A_366 : memref<40x128xf32, #tpu.memory_space<vmem>>) offsets(%dma_start3A_369 : memref<40xi32, #tpu.memory_space<vmem>>) semaphore(%arg10 : memref<!tpu.dma_semaphore, #tpu.memory_space<semaphore_mem>>) {add = true}
      %dma_start3A_373 = arith.constant 1 : i32
      %dma_start3A_374 = arith.constant 0 : i32
      %dma_start3A_375 = arith.constant 1 : i32
      %dma_start3A_376 = arith.constant 0 : i32
      %dma_start3A_377 = arith.constant 120 : i32
      %dma_start3A_378 = arith.constant 0 : i32
      %dma_start3A_379 = tpu.memref_slice %arg7[%dma_start3A_375, %dma_start3A_376, %dma_start3A_377, %dma_start3A_378] : memref<2x2x200x128xf32, #tpu.memory_space<vmem>> -> memref<1x1x40x128xf32, #tpu.memory_space<vmem>>
      %dma_start3A_380 = tpu.memref_squeeze %dma_start3A_379 : memref<1x1x40x128xf32, #tpu.memory_space<vmem>> -> memref<40x128xf32, #tpu.memory_space<vmem>>
      %dma_start3A_381 = arith.constant 120 : i32
      %dma_start3A_382 = tpu.memref_slice %arg6[%dma_start3A_373, %dma_start3A_374, %dma_start3A_381] : memref<2x2x200xi32, #tpu.memory_space<vmem>> -> memref<1x1x40xi32, #tpu.memory_space<vmem>>
      %dma_start3A_383 = tpu.memref_squeeze %dma_start3A_382 : memref<1x1x40xi32, #tpu.memory_space<vmem>> -> memref<40xi32, #tpu.memory_space<vmem>>
      %dma_start3A_384 = arith.constant 0 : i32
      %dma_start3A_385 = arith.constant 0 : i32
      %dma_start3A_386 = tpu.memref_slice %arg2[%dma_start3A_384, %dma_start3A_385] : memref<1000000x128xf32, #tpu.memory_space<hbm>> -> memref<1000000x128xf32, #tpu.memory_space<hbm>>
      tpu.enqueue_indirect_dma source(%dma_start3A_386 : memref<1000000x128xf32, #tpu.memory_space<hbm>>) target(%dma_start3A_380 : memref<40x128xf32, #tpu.memory_space<vmem>>) offsets(%dma_start3A_383 : memref<40xi32, #tpu.memory_space<vmem>>) semaphore(%arg10 : memref<!tpu.dma_semaphore, #tpu.memory_space<semaphore_mem>>) {add = true}
      %dma_start3A_387 = arith.constant 1 : i32
      %dma_start3A_388 = arith.constant 0 : i32
      %dma_start3A_389 = arith.constant 1 : i32
      %dma_start3A_390 = arith.constant 0 : i32
      %dma_start3A_391 = arith.constant 160 : i32
      %dma_start3A_392 = arith.constant 0 : i32
      %dma_start3A_393 = tpu.memref_slice %arg7[%dma_start3A_389, %dma_start3A_390, %dma_start3A_391, %dma_start3A_392] : memref<2x2x200x128xf32, #tpu.memory_space<vmem>> -> memref<1x1x40x128xf32, #tpu.memory_space<vmem>>
      %dma_start3A_394 = tpu.memref_squeeze %dma_start3A_393 : memref<1x1x40x128xf32, #tpu.memory_space<vmem>> -> memref<40x128xf32, #tpu.memory_space<vmem>>
      %dma_start3A_395 = arith.constant 160 : i32
      %dma_start3A_396 = tpu.memref_slice %arg6[%dma_start3A_387, %dma_start3A_388, %dma_start3A_395] : memref<2x2x200xi32, #tpu.memory_space<vmem>> -> memref<1x1x40xi32, #tpu.memory_space<vmem>>
      %dma_start3A_397 = tpu.memref_squeeze %dma_start3A_396 : memref<1x1x40xi32, #tpu.memory_space<vmem>> -> memref<40xi32, #tpu.memory_space<vmem>>
      %dma_start3A_398 = arith.constant 0 : i32
      %dma_start3A_399 = arith.constant 0 : i32
      %dma_start3A_400 = tpu.memref_slice %arg2[%dma_start3A_398, %dma_start3A_399] : memref<1000000x128xf32, #tpu.memory_space<hbm>> -> memref<1000000x128xf32, #tpu.memory_space<hbm>>
      tpu.enqueue_indirect_dma source(%dma_start3A_400 : memref<1000000x128xf32, #tpu.memory_space<hbm>>) target(%dma_start3A_394 : memref<40x128xf32, #tpu.memory_space<vmem>>) offsets(%dma_start3A_397 : memref<40xi32, #tpu.memory_space<vmem>>) semaphore(%arg10 : memref<!tpu.dma_semaphore, #tpu.memory_space<semaphore_mem>>) {add = true}
      %dma_start3A_401 = arith.constant 1 : i32
      %dma_start3A_402 = arith.constant 1 : i32
      %dma_start3A_403 = arith.constant 1 : i32
      %dma_start3A_404 = arith.constant 1 : i32
      %dma_start3A_405 = arith.constant 0 : i32
      %dma_start3A_406 = arith.constant 0 : i32
      %dma_start3A_407 = tpu.memref_slice %arg7[%dma_start3A_403, %dma_start3A_404, %dma_start3A_405, %dma_start3A_406] : memref<2x2x200x128xf32, #tpu.memory_space<vmem>> -> memref<1x1x40x128xf32, #tpu.memory_space<vmem>>
      %dma_start3A_408 = tpu.memref_squeeze %dma_start3A_407 : memref<1x1x40x128xf32, #tpu.memory_space<vmem>> -> memref<40x128xf32, #tpu.memory_space<vmem>>
      %dma_start3A_409 = arith.constant 0 : i32
      %dma_start3A_410 = tpu.memref_slice %arg6[%dma_start3A_401, %dma_start3A_402, %dma_start3A_409] : memref<2x2x200xi32, #tpu.memory_space<vmem>> -> memref<1x1x40xi32, #tpu.memory_space<vmem>>
      %dma_start3A_411 = tpu.memref_squeeze %dma_start3A_410 : memref<1x1x40xi32, #tpu.memory_space<vmem>> -> memref<40xi32, #tpu.memory_space<vmem>>
      %dma_start3A_412 = arith.constant 0 : i32
      %dma_start3A_413 = arith.constant 0 : i32
      %dma_start3A_414 = tpu.memref_slice %arg2[%dma_start3A_412, %dma_start3A_413] : memref<1000000x128xf32, #tpu.memory_space<hbm>> -> memref<1000000x128xf32, #tpu.memory_space<hbm>>
      tpu.enqueue_indirect_dma source(%dma_start3A_414 : memref<1000000x128xf32, #tpu.memory_space<hbm>>) target(%dma_start3A_408 : memref<40x128xf32, #tpu.memory_space<vmem>>) offsets(%dma_start3A_411 : memref<40xi32, #tpu.memory_space<vmem>>) semaphore(%arg10 : memref<!tpu.dma_semaphore, #tpu.memory_space<semaphore_mem>>) {add = true}
      %dma_start3A_415 = arith.constant 1 : i32
      %dma_start3A_416 = arith.constant 1 : i32
      %dma_start3A_417 = arith.constant 1 : i32
      %dma_start3A_418 = arith.constant 1 : i32
      %dma_start3A_419 = arith.constant 40 : i32
      %dma_start3A_420 = arith.constant 0 : i32
      %dma_start3A_421 = tpu.memref_slice %arg7[%dma_start3A_417, %dma_start3A_418, %dma_start3A_419, %dma_start3A_420] : memref<2x2x200x128xf32, #tpu.memory_space<vmem>> -> memref<1x1x40x128xf32, #tpu.memory_space<vmem>>
      %dma_start3A_422 = tpu.memref_squeeze %dma_start3A_421 : memref<1x1x40x128xf32, #tpu.memory_space<vmem>> -> memref<40x128xf32, #tpu.memory_space<vmem>>
      %dma_start3A_423 = arith.constant 40 : i32
      %dma_start3A_424 = tpu.memref_slice %arg6[%dma_start3A_415, %dma_start3A_416, %dma_start3A_423] : memref<2x2x200xi32, #tpu.memory_space<vmem>> -> memref<1x1x40xi32, #tpu.memory_space<vmem>>
      %dma_start3A_425 = tpu.memref_squeeze %dma_start3A_424 : memref<1x1x40xi32, #tpu.memory_space<vmem>> -> memref<40xi32, #tpu.memory_space<vmem>>
      %dma_start3A_426 = arith.constant 0 : i32
      %dma_start3A_427 = arith.constant 0 : i32
      %dma_start3A_428 = tpu.memref_slice %arg2[%dma_start3A_426, %dma_start3A_427] : memref<1000000x128xf32, #tpu.memory_space<hbm>> -> memref<1000000x128xf32, #tpu.memory_space<hbm>>
      tpu.enqueue_indirect_dma source(%dma_start3A_428 : memref<1000000x128xf32, #tpu.memory_space<hbm>>) target(%dma_start3A_422 : memref<40x128xf32, #tpu.memory_space<vmem>>) offsets(%dma_start3A_425 : memref<40xi32, #tpu.memory_space<vmem>>) semaphore(%arg10 : memref<!tpu.dma_semaphore, #tpu.memory_space<semaphore_mem>>) {add = true}
      %dma_start3A_429 = arith.constant 1 : i32
      %dma_start3A_430 = arith.constant 1 : i32
      %dma_start3A_431 = arith.constant 1 : i32
      %dma_start3A_432 = arith.constant 1 : i32
      %dma_start3A_433 = arith.constant 80 : i32
      %dma_start3A_434 = arith.constant 0 : i32
      %dma_start3A_435 = tpu.memref_slice %arg7[%dma_start3A_431, %dma_start3A_432, %dma_start3A_433, %dma_start3A_434] : memref<2x2x200x128xf32, #tpu.memory_space<vmem>> -> memref<1x1x40x128xf32, #tpu.memory_space<vmem>>
      %dma_start3A_436 = tpu.memref_squeeze %dma_start3A_435 : memref<1x1x40x128xf32, #tpu.memory_space<vmem>> -> memref<40x128xf32, #tpu.memory_space<vmem>>
      %dma_start3A_437 = arith.constant 80 : i32
      %dma_start3A_438 = tpu.memref_slice %arg6[%dma_start3A_429, %dma_start3A_430, %dma_start3A_437] : memref<2x2x200xi32, #tpu.memory_space<vmem>> -> memref<1x1x40xi32, #tpu.memory_space<vmem>>
      %dma_start3A_439 = tpu.memref_squeeze %dma_start3A_438 : memref<1x1x40xi32, #tpu.memory_space<vmem>> -> memref<40xi32, #tpu.memory_space<vmem>>
      %dma_start3A_440 = arith.constant 0 : i32
      %dma_start3A_441 = arith.constant 0 : i32
      %dma_start3A_442 = tpu.memref_slice %arg2[%dma_start3A_440, %dma_start3A_441] : memref<1000000x128xf32, #tpu.memory_space<hbm>> -> memref<1000000x128xf32, #tpu.memory_space<hbm>>
      tpu.enqueue_indirect_dma source(%dma_start3A_442 : memref<1000000x128xf32, #tpu.memory_space<hbm>>) target(%dma_start3A_436 : memref<40x128xf32, #tpu.memory_space<vmem>>) offsets(%dma_start3A_439 : memref<40xi32, #tpu.memory_space<vmem>>) semaphore(%arg10 : memref<!tpu.dma_semaphore, #tpu.memory_space<semaphore_mem>>) {add = true}
      %dma_start3A_443 = arith.constant 1 : i32
      %dma_start3A_444 = arith.constant 1 : i32
      %dma_start3A_445 = arith.constant 1 : i32
      %dma_start3A_446 = arith.constant 1 : i32
      %dma_start3A_447 = arith.constant 120 : i32
      %dma_start3A_448 = arith.constant 0 : i32
      %dma_start3A_449 = tpu.memref_slice %arg7[%dma_start3A_445, %dma_start3A_446, %dma_start3A_447, %dma_start3A_448] : memref<2x2x200x128xf32, #tpu.memory_space<vmem>> -> memref<1x1x40x128xf32, #tpu.memory_space<vmem>>
      %dma_start3A_450 = tpu.memref_squeeze %dma_start3A_449 : memref<1x1x40x128xf32, #tpu.memory_space<vmem>> -> memref<40x128xf32, #tpu.memory_space<vmem>>
      %dma_start3A_451 = arith.constant 120 : i32
      %dma_start3A_452 = tpu.memref_slice %arg6[%dma_start3A_443, %dma_start3A_444, %dma_start3A_451] : memref<2x2x200xi32, #tpu.memory_space<vmem>> -> memref<1x1x40xi32, #tpu.memory_space<vmem>>
      %dma_start3A_453 = tpu.memref_squeeze %dma_start3A_452 : memref<1x1x40xi32, #tpu.memory_space<vmem>> -> memref<40xi32, #tpu.memory_space<vmem>>
      %dma_start3A_454 = arith.constant 0 : i32
      %dma_start3A_455 = arith.constant 0 : i32
      %dma_start3A_456 = tpu.memref_slice %arg2[%dma_start3A_454, %dma_start3A_455] : memref<1000000x128xf32, #tpu.memory_space<hbm>> -> memref<1000000x128xf32, #tpu.memory_space<hbm>>
      tpu.enqueue_indirect_dma source(%dma_start3A_456 : memref<1000000x128xf32, #tpu.memory_space<hbm>>) target(%dma_start3A_450 : memref<40x128xf32, #tpu.memory_space<vmem>>) offsets(%dma_start3A_453 : memref<40xi32, #tpu.memory_space<vmem>>) semaphore(%arg10 : memref<!tpu.dma_semaphore, #tpu.memory_space<semaphore_mem>>) {add = true}
      %dma_start3A_457 = arith.constant 1 : i32
      %dma_start3A_458 = arith.constant 1 : i32
      %dma_start3A_459 = arith.constant 1 : i32
      %dma_start3A_460 = arith.constant 1 : i32
      %dma_start3A_461 = arith.constant 160 : i32
      %dma_start3A_462 = arith.constant 0 : i32
      %dma_start3A_463 = tpu.memref_slice %arg7[%dma_start3A_459, %dma_start3A_460, %dma_start3A_461, %dma_start3A_462] : memref<2x2x200x128xf32, #tpu.memory_space<vmem>> -> memref<1x1x40x128xf32, #tpu.memory_space<vmem>>
      %dma_start3A_464 = tpu.memref_squeeze %dma_start3A_463 : memref<1x1x40x128xf32, #tpu.memory_space<vmem>> -> memref<40x128xf32, #tpu.memory_space<vmem>>
      %dma_start3A_465 = arith.constant 160 : i32
      %dma_start3A_466 = tpu.memref_slice %arg6[%dma_start3A_457, %dma_start3A_458, %dma_start3A_465] : memref<2x2x200xi32, #tpu.memory_space<vmem>> -> memref<1x1x40xi32, #tpu.memory_space<vmem>>
      %dma_start3A_467 = tpu.memref_squeeze %dma_start3A_466 : memref<1x1x40xi32, #tpu.memory_space<vmem>> -> memref<40xi32, #tpu.memory_space<vmem>>
      %dma_start3A_468 = arith.constant 0 : i32
      %dma_start3A_469 = arith.constant 0 : i32
      %dma_start3A_470 = tpu.memref_slice %arg2[%dma_start3A_468, %dma_start3A_469] : memref<1000000x128xf32, #tpu.memory_space<hbm>> -> memref<1000000x128xf32, #tpu.memory_space<hbm>>
      tpu.enqueue_indirect_dma source(%dma_start3A_470 : memref<1000000x128xf32, #tpu.memory_space<hbm>>) target(%dma_start3A_464 : memref<40x128xf32, #tpu.memory_space<vmem>>) offsets(%dma_start3A_467 : memref<40xi32, #tpu.memory_space<vmem>>) semaphore(%arg10 : memref<!tpu.dma_semaphore, #tpu.memory_space<semaphore_mem>>) {add = true}
      %sub3A_471 = arith.constant 1 : i32
      %sub3A_472 = arith.subi %add3A_318, %sub3A_471 : i32
      %ge3A_473 = arith.constant 1 : i32
      %ge3A_474 = arith.cmpi sge, %add3A_318, %ge3A_473 : i32
      %convert_element_type3A_475 = arith.extui %ge3A_474 : i1 to i32
      %cond3A_476 = arith.constant 0 : i32
      %cond3A_477 = arith.cmpi ne, %convert_element_type3A_475, %cond3A_476 : i32
      scf.if %cond3A_477 {
        %mul3A_478 = arith.constant 2 : i32
        %mul3A_479 = arith.muli %sub3A_472, %mul3A_478 : i32
        %add3A_480 = arith.addi %mul3A_2, %mul3A_479 : i32
        %dma_wait3A_481 = arith.constant 0 : i32
        %dma_wait3A_482 = arith.constant 0 : i32
        %dma_wait3A_483 = arith.constant 0 : i32
        %dma_wait3A_484 = arith.constant 0 : i32
        %dma_wait3A_485 = tpu.memref_slice %arg7[%dma_wait3A_481, %dma_wait3A_482, %dma_wait3A_483, %dma_wait3A_484] : memref<2x2x200x128xf32, #tpu.memory_space<vmem>> -> memref<1x2x200x128xf32, #tpu.memory_space<vmem>>
        %dma_wait3A_486 = tpu.memref_squeeze %dma_wait3A_485 : memref<1x2x200x128xf32, #tpu.memory_space<vmem>> -> memref<2x200x128xf32, #tpu.memory_space<vmem>>
        %dma_wait3A_487 = arith.constant 0 : i32
        %dma_wait3A_488 = arith.constant 0 : i32
        %dma_wait3A_489 = tpu.memref_slice %arg5[%add3A_480, %dma_wait3A_487, %dma_wait3A_488] : memref<4096x200x128xf32, #tpu.memory_space<hbm>> -> memref<2x200x128xf32, #tpu.memory_space<hbm>>
        %dma_wait3A_490 = arith.constant 0 : i32
        %dma_wait3A_491 = arith.constant 0 : i32
        %dma_wait3A_492 = arith.constant 0 : i32
        %dma_wait3A_493 = tpu.memref_slice %arg7[%dma_wait3A_481, %dma_wait3A_490, %dma_wait3A_491, %dma_wait3A_492] : memref<2x2x200x128xf32, #tpu.memory_space<vmem>> -> memref<1x2x200x128xf32, #tpu.memory_space<vmem>>
        %dma_wait3A_494 = tpu.memref_squeeze %dma_wait3A_493 : memref<1x2x200x128xf32, #tpu.memory_space<vmem>> -> memref<2x200x128xf32, #tpu.memory_space<vmem>>
        %dma_wait3A_495 = arith.constant 0 : i32
        %dma_wait3A_496 = arith.constant 0 : i32
        %dma_wait3A_497 = tpu.memref_slice %arg5[%add3A_480, %dma_wait3A_495, %dma_wait3A_496] : memref<4096x200x128xf32, #tpu.memory_space<hbm>> -> memref<2x200x128xf32, #tpu.memory_space<hbm>>
        tpu.wait_dma2 semaphore(%arg9 : memref<!tpu.dma_semaphore, #tpu.memory_space<semaphore_mem>>) src(%dma_wait3A_497 : memref<2x200x128xf32, #tpu.memory_space<hbm>>) dst(%dma_wait3A_494 : memref<2x200x128xf32, #tpu.memory_space<vmem>>)
        %mul3A_498 = arith.constant 2 : i32
        %mul3A_499 = arith.muli %sub3A_472, %mul3A_498 : i32
        %add3A_500 = arith.addi %mul3A_2, %mul3A_499 : i32
        %add3A_501 = arith.constant 0 : i32
        %add3A_502 = arith.addi %add3A_500, %add3A_501 : i32
        %dma_start3A_503 = arith.constant 0 : i32
        %dma_start3A_504 = arith.constant 0 : i32
        %dma_start3A_505 = arith.constant 0 : i32
        %dma_start3A_506 = arith.constant 0 : i32
        %dma_start3A_507 = tpu.memref_slice %arg7[%dma_start3A_503, %dma_start3A_504, %dma_start3A_505, %dma_start3A_506] : memref<2x2x200x128xf32, #tpu.memory_space<vmem>> -> memref<1x1x200x64xf32, #tpu.memory_space<vmem>>
        %dma_start3A_508 = tpu.memref_squeeze %dma_start3A_507 : memref<1x1x200x64xf32, #tpu.memory_space<vmem>> -> memref<200x64xf32, #tpu.memory_space<vmem>>
        %dma_start3A_509 = arith.constant 0 : i32
        %dma_start3A_510 = arith.constant 0 : i32
        %dma_start3A_511 = tpu.memref_slice %arg5[%add3A_502, %dma_start3A_509, %dma_start3A_510] : memref<4096x200x128xf32, #tpu.memory_space<hbm>> -> memref<1x200x64xf32, #tpu.memory_space<hbm>>
        %dma_start3A_512 = tpu.memref_squeeze %dma_start3A_511 : memref<1x200x64xf32, #tpu.memory_space<hbm>> -> memref<200x64xf32, #tpu.memory_space<hbm>>
        %dma_start3A_513 = arith.constant 0 : i32
        %dma_start3A_514 = arith.constant 0 : i32
        %dma_start3A_515 = tpu.memref_slice %arg5[%add3A_502, %dma_start3A_513, %dma_start3A_514] : memref<4096x200x128xf32, #tpu.memory_space<hbm>> -> memref<1x200x64xf32, #tpu.memory_space<hbm>>
        %dma_start3A_516 = tpu.memref_squeeze %dma_start3A_515 : memref<1x200x64xf32, #tpu.memory_space<hbm>> -> memref<200x64xf32, #tpu.memory_space<hbm>>
        %dma_start3A_517 = arith.constant 0 : i32
        %dma_start3A_518 = arith.constant 0 : i32
        %dma_start3A_519 = tpu.memref_slice %arg7[%dma_start3A_503, %dma_start3A_504, %dma_start3A_517, %dma_start3A_518] : memref<2x2x200x128xf32, #tpu.memory_space<vmem>> -> memref<1x1x200x64xf32, #tpu.memory_space<vmem>>
        %dma_start3A_520 = tpu.memref_squeeze %dma_start3A_519 : memref<1x1x200x64xf32, #tpu.memory_space<vmem>> -> memref<200x64xf32, #tpu.memory_space<vmem>>
        tpu.enqueue_dma source(%dma_start3A_520 : memref<200x64xf32, #tpu.memory_space<vmem>>) target(%dma_start3A_516 : memref<200x64xf32, #tpu.memory_space<hbm>>) target_semaphore(%arg11 : memref<!tpu.dma_semaphore, #tpu.memory_space<semaphore_mem>>)
        %mul3A_521 = arith.constant 2 : i32
        %mul3A_522 = arith.muli %sub3A_472, %mul3A_521 : i32
        %add3A_523 = arith.addi %mul3A_2, %mul3A_522 : i32
        %add3A_524 = arith.constant 1 : i32
        %add3A_525 = arith.addi %add3A_523, %add3A_524 : i32
        %dma_start3A_526 = arith.constant 0 : i32
        %dma_start3A_527 = arith.constant 1 : i32
        %dma_start3A_528 = arith.constant 0 : i32
        %dma_start3A_529 = arith.constant 0 : i32
        %dma_start3A_530 = tpu.memref_slice %arg7[%dma_start3A_526, %dma_start3A_527, %dma_start3A_528, %dma_start3A_529] : memref<2x2x200x128xf32, #tpu.memory_space<vmem>> -> memref<1x1x200x64xf32, #tpu.memory_space<vmem>>
        %dma_start3A_531 = tpu.memref_squeeze %dma_start3A_530 : memref<1x1x200x64xf32, #tpu.memory_space<vmem>> -> memref<200x64xf32, #tpu.memory_space<vmem>>
        %dma_start3A_532 = arith.constant 0 : i32
        %dma_start3A_533 = arith.constant 0 : i32
        %dma_start3A_534 = tpu.memref_slice %arg5[%add3A_525, %dma_start3A_532, %dma_start3A_533] : memref<4096x200x128xf32, #tpu.memory_space<hbm>> -> memref<1x200x64xf32, #tpu.memory_space<hbm>>
        %dma_start3A_535 = tpu.memref_squeeze %dma_start3A_534 : memref<1x200x64xf32, #tpu.memory_space<hbm>> -> memref<200x64xf32, #tpu.memory_space<hbm>>
        %dma_start3A_536 = arith.constant 0 : i32
        %dma_start3A_537 = arith.constant 0 : i32
        %dma_start3A_538 = tpu.memref_slice %arg5[%add3A_525, %dma_start3A_536, %dma_start3A_537] : memref<4096x200x128xf32, #tpu.memory_space<hbm>> -> memref<1x200x64xf32, #tpu.memory_space<hbm>>
        %dma_start3A_539 = tpu.memref_squeeze %dma_start3A_538 : memref<1x200x64xf32, #tpu.memory_space<hbm>> -> memref<200x64xf32, #tpu.memory_space<hbm>>
        %dma_start3A_540 = arith.constant 0 : i32
        %dma_start3A_541 = arith.constant 0 : i32
        %dma_start3A_542 = tpu.memref_slice %arg7[%dma_start3A_526, %dma_start3A_527, %dma_start3A_540, %dma_start3A_541] : memref<2x2x200x128xf32, #tpu.memory_space<vmem>> -> memref<1x1x200x64xf32, #tpu.memory_space<vmem>>
        %dma_start3A_543 = tpu.memref_squeeze %dma_start3A_542 : memref<1x1x200x64xf32, #tpu.memory_space<vmem>> -> memref<200x64xf32, #tpu.memory_space<vmem>>
        tpu.enqueue_dma source(%dma_start3A_543 : memref<200x64xf32, #tpu.memory_space<vmem>>) target(%dma_start3A_539 : memref<200x64xf32, #tpu.memory_space<hbm>>) target_semaphore(%arg11 : memref<!tpu.dma_semaphore, #tpu.memory_space<semaphore_mem>>)
      } else {
      }
    }
    %scan3A_7 = arith.constant 32 : i32
    %add3A_8 = arith.constant 126 : i32
    %add3A_9 = arith.addi %mul3A_2, %add3A_8 : i32
    %dma_wait3A = arith.constant 1 : i32
    %dma_wait3A_10 = arith.constant 0 : i32
    %dma_wait3A_11 = arith.constant 0 : i32
    %dma_wait3A_12 = arith.constant 0 : i32
    %dma_wait3A_13 = tpu.memref_slice %arg7[%dma_wait3A, %dma_wait3A_10, %dma_wait3A_11, %dma_wait3A_12] : memref<2x2x200x128xf32, #tpu.memory_space<vmem>> -> memref<1x2x200x128xf32, #tpu.memory_space<vmem>>
    %dma_wait3A_14 = tpu.memref_squeeze %dma_wait3A_13 : memref<1x2x200x128xf32, #tpu.memory_space<vmem>> -> memref<2x200x128xf32, #tpu.memory_space<vmem>>
    %dma_wait3A_15 = arith.constant 0 : i32
    %dma_wait3A_16 = arith.constant 0 : i32
    %dma_wait3A_17 = tpu.memref_slice %arg5[%add3A_9, %dma_wait3A_15, %dma_wait3A_16] : memref<4096x200x128xf32, #tpu.memory_space<hbm>> -> memref<2x200x128xf32, #tpu.memory_space<hbm>>
    %dma_wait3A_18 = arith.constant 0 : i32
    %dma_wait3A_19 = arith.constant 0 : i32
    %dma_wait3A_20 = arith.constant 0 : i32
    %dma_wait3A_21 = tpu.memref_slice %arg7[%dma_wait3A, %dma_wait3A_18, %dma_wait3A_19, %dma_wait3A_20] : memref<2x2x200x128xf32, #tpu.memory_space<vmem>> -> memref<1x2x200x128xf32, #tpu.memory_space<vmem>>
    %dma_wait3A_22 = tpu.memref_squeeze %dma_wait3A_21 : memref<1x2x200x128xf32, #tpu.memory_space<vmem>> -> memref<2x200x128xf32, #tpu.memory_space<vmem>>
    %dma_wait3A_23 = arith.constant 0 : i32
    %dma_wait3A_24 = arith.constant 0 : i32
    %dma_wait3A_25 = tpu.memref_slice %arg5[%add3A_9, %dma_wait3A_23, %dma_wait3A_24] : memref<4096x200x128xf32, #tpu.memory_space<hbm>> -> memref<2x200x128xf32, #tpu.memory_space<hbm>>
    tpu.wait_dma2 semaphore(%arg10 : memref<!tpu.dma_semaphore, #tpu.memory_space<semaphore_mem>>) src(%dma_wait3A_25 : memref<2x200x128xf32, #tpu.memory_space<hbm>>) dst(%dma_wait3A_22 : memref<2x200x128xf32, #tpu.memory_space<vmem>>)
    %add3A_26 = arith.constant 126 : i32
    %add3A_27 = arith.addi %mul3A_2, %add3A_26 : i32
    %add3A_28 = arith.constant 0 : i32
    %add3A_29 = arith.addi %add3A_27, %add3A_28 : i32
    %dma_start3A = arith.constant 1 : i32
    %dma_start3A_30 = arith.constant 0 : i32
    %dma_start3A_31 = arith.constant 0 : i32
    %dma_start3A_32 = arith.constant 0 : i32
    %dma_start3A_33 = tpu.memref_slice %arg7[%dma_start3A, %dma_start3A_30, %dma_start3A_31, %dma_start3A_32] : memref<2x2x200x128xf32, #tpu.memory_space<vmem>> -> memref<1x1x200x64xf32, #tpu.memory_space<vmem>>
    %dma_start3A_34 = tpu.memref_squeeze %dma_start3A_33 : memref<1x1x200x64xf32, #tpu.memory_space<vmem>> -> memref<200x64xf32, #tpu.memory_space<vmem>>
    %dma_start3A_35 = arith.constant 0 : i32
    %dma_start3A_36 = arith.constant 0 : i32
    %dma_start3A_37 = tpu.memref_slice %arg5[%add3A_29, %dma_start3A_35, %dma_start3A_36] : memref<4096x200x128xf32, #tpu.memory_space<hbm>> -> memref<1x200x64xf32, #tpu.memory_space<hbm>>
    %dma_start3A_38 = tpu.memref_squeeze %dma_start3A_37 : memref<1x200x64xf32, #tpu.memory_space<hbm>> -> memref<200x64xf32, #tpu.memory_space<hbm>>
    %dma_start3A_39 = arith.constant 0 : i32
    %dma_start3A_40 = arith.constant 0 : i32
    %dma_start3A_41 = tpu.memref_slice %arg5[%add3A_29, %dma_start3A_39, %dma_start3A_40] : memref<4096x200x128xf32, #tpu.memory_space<hbm>> -> memref<1x200x64xf32, #tpu.memory_space<hbm>>
    %dma_start3A_42 = tpu.memref_squeeze %dma_start3A_41 : memref<1x200x64xf32, #tpu.memory_space<hbm>> -> memref<200x64xf32, #tpu.memory_space<hbm>>
    %dma_start3A_43 = arith.constant 0 : i32
    %dma_start3A_44 = arith.constant 0 : i32
    %dma_start3A_45 = tpu.memref_slice %arg7[%dma_start3A, %dma_start3A_30, %dma_start3A_43, %dma_start3A_44] : memref<2x2x200x128xf32, #tpu.memory_space<vmem>> -> memref<1x1x200x64xf32, #tpu.memory_space<vmem>>
    %dma_start3A_46 = tpu.memref_squeeze %dma_start3A_45 : memref<1x1x200x64xf32, #tpu.memory_space<vmem>> -> memref<200x64xf32, #tpu.memory_space<vmem>>
    tpu.enqueue_dma source(%dma_start3A_46 : memref<200x64xf32, #tpu.memory_space<vmem>>) target(%dma_start3A_42 : memref<200x64xf32, #tpu.memory_space<hbm>>) target_semaphore(%arg12 : memref<!tpu.dma_semaphore, #tpu.memory_space<semaphore_mem>>)
    %add3A_47 = arith.constant 126 : i32
    %add3A_48 = arith.addi %mul3A_2, %add3A_47 : i32
    %add3A_49 = arith.constant 1 : i32
    %add3A_50 = arith.addi %add3A_48, %add3A_49 : i32
    %dma_start3A_51 = arith.constant 1 : i32
    %dma_start3A_52 = arith.constant 1 : i32
    %dma_start3A_53 = arith.constant 0 : i32
    %dma_start3A_54 = arith.constant 0 : i32
    %dma_start3A_55 = tpu.memref_slice %arg7[%dma_start3A_51, %dma_start3A_52, %dma_start3A_53, %dma_start3A_54] : memref<2x2x200x128xf32, #tpu.memory_space<vmem>> -> memref<1x1x200x64xf32, #tpu.memory_space<vmem>>
    %dma_start3A_56 = tpu.memref_squeeze %dma_start3A_55 : memref<1x1x200x64xf32, #tpu.memory_space<vmem>> -> memref<200x64xf32, #tpu.memory_space<vmem>>
    %dma_start3A_57 = arith.constant 0 : i32
    %dma_start3A_58 = arith.constant 0 : i32
    %dma_start3A_59 = tpu.memref_slice %arg5[%add3A_50, %dma_start3A_57, %dma_start3A_58] : memref<4096x200x128xf32, #tpu.memory_space<hbm>> -> memref<1x200x64xf32, #tpu.memory_space<hbm>>
    %dma_start3A_60 = tpu.memref_squeeze %dma_start3A_59 : memref<1x200x64xf32, #tpu.memory_space<hbm>> -> memref<200x64xf32, #tpu.memory_space<hbm>>
    %dma_start3A_61 = arith.constant 0 : i32
    %dma_start3A_62 = arith.constant 0 : i32
    %dma_start3A_63 = tpu.memref_slice %arg5[%add3A_50, %dma_start3A_61, %dma_start3A_62] : memref<4096x200x128xf32, #tpu.memory_space<hbm>> -> memref<1x200x64xf32, #tpu.memory_space<hbm>>
    %dma_start3A_64 = tpu.memref_squeeze %dma_start3A_63 : memref<1x200x64xf32, #tpu.memory_space<hbm>> -> memref<200x64xf32, #tpu.memory_space<hbm>>
    %dma_start3A_65 = arith.constant 0 : i32
    %dma_start3A_66 = arith.constant 0 : i32
    %dma_start3A_67 = tpu.memref_slice %arg7[%dma_start3A_51, %dma_start3A_52, %dma_start3A_65, %dma_start3A_66] : memref<2x2x200x128xf32, #tpu.memory_space<vmem>> -> memref<1x1x200x64xf32, #tpu.memory_space<vmem>>
    %dma_start3A_68 = tpu.memref_squeeze %dma_start3A_67 : memref<1x1x200x64xf32, #tpu.memory_space<vmem>> -> memref<200x64xf32, #tpu.memory_space<vmem>>
    tpu.enqueue_dma source(%dma_start3A_68 : memref<200x64xf32, #tpu.memory_space<vmem>>) target(%dma_start3A_64 : memref<200x64xf32, #tpu.memory_space<hbm>>) target_semaphore(%arg12 : memref<!tpu.dma_semaphore, #tpu.memory_space<semaphore_mem>>)
    %add3A_69 = arith.constant 124 : i32
    %add3A_70 = arith.addi %mul3A_2, %add3A_69 : i32
    %add3A_71 = arith.constant 0 : i32
    %add3A_72 = arith.addi %add3A_70, %add3A_71 : i32
    %dma_wait3A_73 = arith.constant 0 : i32
    %dma_wait3A_74 = arith.constant 0 : i32
    %dma_wait3A_75 = arith.constant 0 : i32
    %dma_wait3A_76 = arith.constant 0 : i32
    %dma_wait3A_77 = tpu.memref_slice %arg7[%dma_wait3A_73, %dma_wait3A_74, %dma_wait3A_75, %dma_wait3A_76] : memref<2x2x200x128xf32, #tpu.memory_space<vmem>> -> memref<1x1x200x64xf32, #tpu.memory_space<vmem>>
    %dma_wait3A_78 = tpu.memref_squeeze %dma_wait3A_77 : memref<1x1x200x64xf32, #tpu.memory_space<vmem>> -> memref<200x64xf32, #tpu.memory_space<vmem>>
    %dma_wait3A_79 = arith.constant 0 : i32
    %dma_wait3A_80 = arith.constant 0 : i32
    %dma_wait3A_81 = tpu.memref_slice %arg5[%add3A_72, %dma_wait3A_79, %dma_wait3A_80] : memref<4096x200x128xf32, #tpu.memory_space<hbm>> -> memref<1x200x64xf32, #tpu.memory_space<hbm>>
    %dma_wait3A_82 = tpu.memref_squeeze %dma_wait3A_81 : memref<1x200x64xf32, #tpu.memory_space<hbm>> -> memref<200x64xf32, #tpu.memory_space<hbm>>
    %dma_wait3A_83 = arith.constant 0 : i32
    %dma_wait3A_84 = arith.constant 0 : i32
    %dma_wait3A_85 = tpu.memref_slice %arg5[%add3A_72, %dma_wait3A_83, %dma_wait3A_84] : memref<4096x200x128xf32, #tpu.memory_space<hbm>> -> memref<1x200x64xf32, #tpu.memory_space<hbm>>
    %dma_wait3A_86 = tpu.memref_squeeze %dma_wait3A_85 : memref<1x200x64xf32, #tpu.memory_space<hbm>> -> memref<200x64xf32, #tpu.memory_space<hbm>>
    %dma_wait3A_87 = arith.constant 0 : i32
    %dma_wait3A_88 = arith.constant 0 : i32
    %dma_wait3A_89 = tpu.memref_slice %arg7[%dma_wait3A_73, %dma_wait3A_74, %dma_wait3A_87, %dma_wait3A_88] : memref<2x2x200x128xf32, #tpu.memory_space<vmem>> -> memref<1x1x200x64xf32, #tpu.memory_space<vmem>>
    %dma_wait3A_90 = tpu.memref_squeeze %dma_wait3A_89 : memref<1x1x200x64xf32, #tpu.memory_space<vmem>> -> memref<200x64xf32, #tpu.memory_space<vmem>>
    tpu.wait_dma2 semaphore(%arg11 : memref<!tpu.dma_semaphore, #tpu.memory_space<semaphore_mem>>) src(%dma_wait3A_90 : memref<200x64xf32, #tpu.memory_space<vmem>>) dst(%dma_wait3A_86 : memref<200x64xf32, #tpu.memory_space<hbm>>)
    %add3A_91 = arith.constant 124 : i32
    %add3A_92 = arith.addi %mul3A_2, %add3A_91 : i32
    %add3A_93 = arith.constant 1 : i32
    %add3A_94 = arith.addi %add3A_92, %add3A_93 : i32
    %dma_wait3A_95 = arith.constant 0 : i32
    %dma_wait3A_96 = arith.constant 1 : i32
    %dma_wait3A_97 = arith.constant 0 : i32
    %dma_wait3A_98 = arith.constant 0 : i32
    %dma_wait3A_99 = tpu.memref_slice %arg7[%dma_wait3A_95, %dma_wait3A_96, %dma_wait3A_97, %dma_wait3A_98] : memref<2x2x200x128xf32, #tpu.memory_space<vmem>> -> memref<1x1x200x64xf32, #tpu.memory_space<vmem>>
    %dma_wait3A_100 = tpu.memref_squeeze %dma_wait3A_99 : memref<1x1x200x64xf32, #tpu.memory_space<vmem>> -> memref<200x64xf32, #tpu.memory_space<vmem>>
    %dma_wait3A_101 = arith.constant 0 : i32
    %dma_wait3A_102 = arith.constant 0 : i32
    %dma_wait3A_103 = tpu.memref_slice %arg5[%add3A_94, %dma_wait3A_101, %dma_wait3A_102] : memref<4096x200x128xf32, #tpu.memory_space<hbm>> -> memref<1x200x64xf32, #tpu.memory_space<hbm>>
    %dma_wait3A_104 = tpu.memref_squeeze %dma_wait3A_103 : memref<1x200x64xf32, #tpu.memory_space<hbm>> -> memref<200x64xf32, #tpu.memory_space<hbm>>
    %dma_wait3A_105 = arith.constant 0 : i32
    %dma_wait3A_106 = arith.constant 0 : i32
    %dma_wait3A_107 = tpu.memref_slice %arg5[%add3A_94, %dma_wait3A_105, %dma_wait3A_106] : memref<4096x200x128xf32, #tpu.memory_space<hbm>> -> memref<1x200x64xf32, #tpu.memory_space<hbm>>
    %dma_wait3A_108 = tpu.memref_squeeze %dma_wait3A_107 : memref<1x200x64xf32, #tpu.memory_space<hbm>> -> memref<200x64xf32, #tpu.memory_space<hbm>>
    %dma_wait3A_109 = arith.constant 0 : i32
    %dma_wait3A_110 = arith.constant 0 : i32
    %dma_wait3A_111 = tpu.memref_slice %arg7[%dma_wait3A_95, %dma_wait3A_96, %dma_wait3A_109, %dma_wait3A_110] : memref<2x2x200x128xf32, #tpu.memory_space<vmem>> -> memref<1x1x200x64xf32, #tpu.memory_space<vmem>>
    %dma_wait3A_112 = tpu.memref_squeeze %dma_wait3A_111 : memref<1x1x200x64xf32, #tpu.memory_space<vmem>> -> memref<200x64xf32, #tpu.memory_space<vmem>>
    tpu.wait_dma2 semaphore(%arg11 : memref<!tpu.dma_semaphore, #tpu.memory_space<semaphore_mem>>) src(%dma_wait3A_112 : memref<200x64xf32, #tpu.memory_space<vmem>>) dst(%dma_wait3A_108 : memref<200x64xf32, #tpu.memory_space<hbm>>)
    %add3A_113 = arith.constant 126 : i32
    %add3A_114 = arith.addi %mul3A_2, %add3A_113 : i32
    %add3A_115 = arith.constant 0 : i32
    %add3A_116 = arith.addi %add3A_114, %add3A_115 : i32
    %dma_wait3A_117 = arith.constant 1 : i32
    %dma_wait3A_118 = arith.constant 0 : i32
    %dma_wait3A_119 = arith.constant 0 : i32
    %dma_wait3A_120 = arith.constant 0 : i32
    %dma_wait3A_121 = tpu.memref_slice %arg7[%dma_wait3A_117, %dma_wait3A_118, %dma_wait3A_119, %dma_wait3A_120] : memref<2x2x200x128xf32, #tpu.memory_space<vmem>> -> memref<1x1x200x64xf32, #tpu.memory_space<vmem>>
    %dma_wait3A_122 = tpu.memref_squeeze %dma_wait3A_121 : memref<1x1x200x64xf32, #tpu.memory_space<vmem>> -> memref<200x64xf32, #tpu.memory_space<vmem>>
    %dma_wait3A_123 = arith.constant 0 : i32
    %dma_wait3A_124 = arith.constant 0 : i32
    %dma_wait3A_125 = tpu.memref_slice %arg5[%add3A_116, %dma_wait3A_123, %dma_wait3A_124] : memref<4096x200x128xf32, #tpu.memory_space<hbm>> -> memref<1x200x64xf32, #tpu.memory_space<hbm>>
    %dma_wait3A_126 = tpu.memref_squeeze %dma_wait3A_125 : memref<1x200x64xf32, #tpu.memory_space<hbm>> -> memref<200x64xf32, #tpu.memory_space<hbm>>
    %dma_wait3A_127 = arith.constant 0 : i32
    %dma_wait3A_128 = arith.constant 0 : i32
    %dma_wait3A_129 = tpu.memref_slice %arg5[%add3A_116, %dma_wait3A_127, %dma_wait3A_128] : memref<4096x200x128xf32, #tpu.memory_space<hbm>> -> memref<1x200x64xf32, #tpu.memory_space<hbm>>
    %dma_wait3A_130 = tpu.memref_squeeze %dma_wait3A_129 : memref<1x200x64xf32, #tpu.memory_space<hbm>> -> memref<200x64xf32, #tpu.memory_space<hbm>>
    %dma_wait3A_131 = arith.constant 0 : i32
    %dma_wait3A_132 = arith.constant 0 : i32
    %dma_wait3A_133 = tpu.memref_slice %arg7[%dma_wait3A_117, %dma_wait3A_118, %dma_wait3A_131, %dma_wait3A_132] : memref<2x2x200x128xf32, #tpu.memory_space<vmem>> -> memref<1x1x200x64xf32, #tpu.memory_space<vmem>>
    %dma_wait3A_134 = tpu.memref_squeeze %dma_wait3A_133 : memref<1x1x200x64xf32, #tpu.memory_space<vmem>> -> memref<200x64xf32, #tpu.memory_space<vmem>>
    tpu.wait_dma2 semaphore(%arg12 : memref<!tpu.dma_semaphore, #tpu.memory_space<semaphore_mem>>) src(%dma_wait3A_134 : memref<200x64xf32, #tpu.memory_space<vmem>>) dst(%dma_wait3A_130 : memref<200x64xf32, #tpu.memory_space<hbm>>)
    %add3A_135 = arith.constant 126 : i32
    %add3A_136 = arith.addi %mul3A_2, %add3A_135 : i32
    %add3A_137 = arith.constant 1 : i32
    %add3A_138 = arith.addi %add3A_136, %add3A_137 : i32
    %dma_wait3A_139 = arith.constant 1 : i32
    %dma_wait3A_140 = arith.constant 1 : i32
    %dma_wait3A_141 = arith.constant 0 : i32
    %dma_wait3A_142 = arith.constant 0 : i32
    %dma_wait3A_143 = tpu.memref_slice %arg7[%dma_wait3A_139, %dma_wait3A_140, %dma_wait3A_141, %dma_wait3A_142] : memref<2x2x200x128xf32, #tpu.memory_space<vmem>> -> memref<1x1x200x64xf32, #tpu.memory_space<vmem>>
    %dma_wait3A_144 = tpu.memref_squeeze %dma_wait3A_143 : memref<1x1x200x64xf32, #tpu.memory_space<vmem>> -> memref<200x64xf32, #tpu.memory_space<vmem>>
    %dma_wait3A_145 = arith.constant 0 : i32
    %dma_wait3A_146 = arith.constant 0 : i32
    %dma_wait3A_147 = tpu.memref_slice %arg5[%add3A_138, %dma_wait3A_145, %dma_wait3A_146] : memref<4096x200x128xf32, #tpu.memory_space<hbm>> -> memref<1x200x64xf32, #tpu.memory_space<hbm>>
    %dma_wait3A_148 = tpu.memref_squeeze %dma_wait3A_147 : memref<1x200x64xf32, #tpu.memory_space<hbm>> -> memref<200x64xf32, #tpu.memory_space<hbm>>
    %dma_wait3A_149 = arith.constant 0 : i32
    %dma_wait3A_150 = arith.constant 0 : i32
    %dma_wait3A_151 = tpu.memref_slice %arg5[%add3A_138, %dma_wait3A_149, %dma_wait3A_150] : memref<4096x200x128xf32, #tpu.memory_space<hbm>> -> memref<1x200x64xf32, #tpu.memory_space<hbm>>
    %dma_wait3A_152 = tpu.memref_squeeze %dma_wait3A_151 : memref<1x200x64xf32, #tpu.memory_space<hbm>> -> memref<200x64xf32, #tpu.memory_space<hbm>>
    %dma_wait3A_153 = arith.constant 0 : i32
    %dma_wait3A_154 = arith.constant 0 : i32
    %dma_wait3A_155 = tpu.memref_slice %arg7[%dma_wait3A_139, %dma_wait3A_140, %dma_wait3A_153, %dma_wait3A_154] : memref<2x2x200x128xf32, #tpu.memory_space<vmem>> -> memref<1x1x200x64xf32, #tpu.memory_space<vmem>>
    %dma_wait3A_156 = tpu.memref_squeeze %dma_wait3A_155 : memref<1x1x200x64xf32, #tpu.memory_space<vmem>> -> memref<200x64xf32, #tpu.memory_space<vmem>>
    tpu.wait_dma2 semaphore(%arg12 : memref<!tpu.dma_semaphore, #tpu.memory_space<semaphore_mem>>) src(%dma_wait3A_156 : memref<200x64xf32, #tpu.memory_space<vmem>>) dst(%dma_wait3A_152 : memref<200x64xf32, #tpu.memory_space<hbm>>)
    return
  }
}

</mosaic_0001>

<sc_bundles>
// kernel: kernel.3.cloned.1.call-start
scs
__scs_entry_jumppad:
0x0: {  	(pc) =	sbr.rel $0x88, $3  }
0x1: {  	(tag) =	ssettag $0x0;
	lr =	simm.s32 $0x1  }
0x2: {  	[smem:$0x3F9E] =	sst lr;
	_ =	strace $0xD0000000  }
0x3: {  	_ = 	snop  }
0x4: {  	_ = 	snop  }
0x5: {  	_ = 	snop  }
0x6: {  	_ = 	snop  }
0x7: {  	_ = 	snop  }
__scs_overlays_trampoline_lowered:
0x8: {  	[smem:$0x3FAD] =	sst s0  }
0x9: {  	[smem:$0x3FAE] =	sst s1  }
0xa: {  	[smem:$0x3FAF] =	sst s2  }
0xb: {  	[smem:$0x3FB0] =	sst s3  }
0xc: {  	[smem:$0x3FB1] =	sst s4  }
0xd: {  	[smem:$0x3FB2] =	sst s5  }
0xe: {  	[smem:$0x3FB3] =	sst s6  }
0xf: {  	[smem:$0x3FB4] =	sst s7  }
0x10: {  	[smem:$0x3FB5] =	sst s8  }
0x11: {  	[smem:$0x3FB6] =	sst s9;
	s0 =	simm.s32 @!p0 $0x0  }
0x12: {  	s1 =	sld [smem:$0x3F9C];
	s0 =	simm.s32 @p0 $0x1  }
0x13: {  	[smem:$0x3FB7] =	sst s0;
	s0 =	simm.s32 @!p1 $0x0  }
0x14: {  	s2 =	sld [smem:$0x3F9B];
	s0 =	simm.s32 @p1 $0x1  }
0x15: {  	[smem:$0x3FB8] =	sst s0;
	s0 =	simm.s32 @!p2 $0x0  }
0x16: {  	s3 =	sld [smem:$0x3FDB];
	s0 =	simm.s32 @p2 $0x1  }
0x17: {  	s4 =	simm.s32 $0x1BF5;
	[smem:$0x3FBA] =	sst s0  }
0x18: {  	s0 =	sld [smem:$0x3F9D];
	_ =	swait.ge [sflag:s4], $0x0  }
0x19: {  	s7 =	sld [smem:$0x3F9E]  }
0x1a: {  	s8 =	sadd.s32 $0xFFFFE003, lr  }
0x1b: {  	s9 =	sadd.s32 $0xFFFFFEF7, lr;
	s5 =	simm.s32 $0xFFFFFFFF;
	p2 =	slt.u32 s8, $0xFFFFF086  }
0x1c: {  	p1 =	slt.u32 s9, $0xF7A;
	s5 =	simm.s32 @!p2 $0x0  }
0x1d: {  	s5 =	simm.s32 @p1 $0x1;
	p0 =	seq.s32 s7, s2  }
0x1e: {  	s7 =	smul.u32 @!p0 $0xF7A, s2;
	p2 =	seq.s32 @!p0 s5, $0x0  }
0x1f: {  	s9 =	smul.u32 $0xF7A, s1;
	s8 =	simm.s32 @!p0 $0x1BF5;
	p2 =	por !p2, p0  }
0x20: {  	[sflag:s8] =	ssyncset.s32 @!p0 $0xFFFFF086;
	s6 =	sadd.s32 @!p0 s3, s7;
	s7 =	simm.s32 @!p0 $0x108  }
0x21: {  	s3 =	sadd.s32 s3, s9;
	s6 =	sadd.s32 @!p0 $0x88, s6;
	s7 =	simm.s32 @p2 $0x1082  }
0x22: {  	[simem:s7], [sflag:s8] =	dma.local @!p0 [hbm:s6], $0xF7A  }
0x23: {  	s9 =	sor.u32 $0xD0000000, s2;
	s6 =	simm.s32 $0x108;
	_ =	swait.ge @!p0 [sflag:s8], $0x0  }
0x24: {  	s3 =	sadd.s32 $0x88, s3;
	s6 =	simm.s32 @!p1 $0x1082;
	[sflag:s4] =	ssyncset.s32 $0xFFFFF086  }
0x25: {  	[simem:s6], [sflag:s4] =	dma.local [hbm:s3], $0xF7A  }
0x26: {  	[smem:$0x3F9E] =	sst s1;
	(tag) =	ssettag s2;
	_ =	strace s9  }
0x27: {  	s1 =	sld [smem:$0x3FAE]  }
0x28: {  	s2 =	sld [smem:$0x3FAF]  }
0x29: {  	s4 =	sld [smem:$0x3FB1]  }
0x2a: {  	p0 =	seq.s32 s5, $0x0;
	s5 =	sld [smem:$0x3FB2]  }
0x2b: {  	s6 =	sld [smem:$0x3FB3]  }
0x2c: {  	s7 =	sld [smem:$0x3FB4]  }
0x2d: {  	s3 =	simm.s32 $0x108;
	s8 =	sld [smem:$0x3FB5]  }
0x2e: {  	s3 =	simm.s32 @!p0 $0x1082;
	s9 =	sld [smem:$0x3FB6]  }
0x2f: {  	lr =	sadd.s32 s0, s3;
	s0 =	sld [smem:$0x3FAD]  }
0x30: {  	s3 =	sld [smem:$0x3FB0]  }
0x31: {  	[smem:$0x3FB9] =	sst s10  }
0x32: {  	s10 =	sld [smem:$0x3FB7];
	_ =	sdelay $0x3  }
0x33: {  	p0 =	seq.s32 s10, $0x1;
	s10 =	sld [smem:$0x3FB9];
	_ =	sdelay $0x3  }
0x34: {  	[smem:$0x3FB9] =	sst s10  }
0x35: {  	s10 =	sld [smem:$0x3FB8];
	_ =	sdelay $0x3  }
0x36: {  	p1 =	seq.s32 s10, $0x1;
	s10 =	sld [smem:$0x3FB9];
	_ =	sdelay $0x3  }
0x37: {  	[smem:$0x3FB9] =	sst s10  }
0x38: {  	s10 =	sld [smem:$0x3FBA]  }
0x39: {  	_ = 	snop;
	(pc) =	sbr.ind lr, $3  }
0x3a: {  	_ = 	snop  }
0x3b: {  	_ = 	snop  }
0x3c: {  	p2 =	seq.s32 s10, $0x1;
	s10 =	sld [smem:$0x3FB9]  }
0x3d: {  	_ =	shalt  }
0x3e: {  	_ =	shalt  }
0x3f: {  	_ =	shalt  }
0x40: {  	_ =	shalt  }
0x41: {  	_ =	shalt  }
0x42: {  	_ =	shalt  }
0x43: {  	_ =	shalt  }
0x44: {  	_ =	shalt  }
0x45: {  	_ =	shalt  }
0x46: {  	_ =	shalt  }
0x47: {  	_ =	shalt  }
0x48: {  	_ =	shalt  }
0x49: {  	_ =	shalt  }
0x4a: {  	_ =	shalt  }
0x4b: {  	_ =	shalt  }
0x4c: {  	_ =	shalt  }
0x4d: {  	_ =	shalt  }
0x4e: {  	_ =	shalt  }
0x4f: {  	_ =	shalt  }
0x50: {  	_ =	shalt  }
0x51: {  	_ =	shalt  }
0x52: {  	_ =	shalt  }
0x53: {  	_ =	shalt  }
0x54: {  	_ =	shalt  }
0x55: {  	_ =	shalt  }
0x56: {  	_ =	shalt  }
0x57: {  	_ =	shalt  }
0x58: {  	_ =	shalt  }
0x59: {  	_ =	shalt  }
0x5a: {  	_ =	shalt  }
0x5b: {  	_ =	shalt  }
0x5c: {  	_ =	shalt  }
0x5d: {  	_ =	shalt  }
0x5e: {  	_ =	shalt  }
0x5f: {  	_ =	shalt  }
0x60: {  	_ =	shalt  }
0x61: {  	_ =	shalt  }
0x62: {  	_ =	shalt  }
0x63: {  	_ =	shalt  }
0x64: {  	_ =	shalt  }
0x65: {  	_ =	shalt  }
0x66: {  	_ =	shalt  }
0x67: {  	_ =	shalt  }
0x68: {  	_ =	shalt  }
0x69: {  	_ =	shalt  }
0x6a: {  	_ =	shalt  }
0x6b: {  	_ =	shalt  }
0x6c: {  	_ =	shalt  }
0x6d: {  	_ =	shalt  }
0x6e: {  	_ =	shalt  }
0x6f: {  	_ =	shalt  }
0x70: {  	_ =	shalt  }
0x71: {  	_ =	shalt  }
0x72: {  	_ =	shalt  }
0x73: {  	_ =	shalt  }
0x74: {  	_ =	shalt  }
0x75: {  	_ =	shalt  }
0x76: {  	_ =	shalt  }
0x77: {  	_ =	shalt  }
0x78: {  	_ =	shalt  }
0x79: {  	_ =	shalt  }
0x7a: {  	_ =	shalt  }
0x7b: {  	_ =	shalt  }
0x7c: {  	_ =	shalt  }
0x7d: {  	_ =	shalt  }
0x7e: {  	_ =	shalt  }
0x7f: {  	_ =	shalt  }
0x80: {  	_ =	shalt  }
0x81: {  	_ =	shalt  }
0x82: {  	_ =	shalt  }
0x83: {  	_ =	shalt  }
0x84: {  	_ =	shalt  }
0x85: {  	_ =	shalt  }
0x86: {  	_ =	shalt  }
0x87: {  	_ =	shalt  }
.Lfunc_end0:
.L_simem_size_0:
called_computation.1_lowered:
.L_overlay_start_0:
0x88: {  	s2 =	sld [smem:$0x3FD9]  }
0x89: {  	s3 =	sld [smem:$0x3FFE];
	_ =	sdelay $0x1  }
0x8a: {  	s1 =	srdreg.scid  }
0x8b: {  	s0 =	sand.u32 $0x1, s1  }
0x8c: {  	s17 =	sshll.u32 s0, $0xA;
	s2 =	sadd.s32 s3, s2  }
0x8d: {  	s2 =	sadd.s32 s2, s17  }
0x8e: {  	[smem:$0x3FC5] =	sst s2  }
0x8f: {  	_ = 	snop  }
0x90: {  	s2 =	sld [smem:$0x3FD0];
	(tm) =	ssettm $0x1  }
0x91: {  	s18 =	sld [smem:$0x3FFB];
	_ =	sdelay $0x3  }
0x92: {  	_ =	strace s18  }
0x93: {  	s3 =	sld [smem:$0x3FFC];
	_ =	sdelay $0x3  }
0x94: {  	_ =	strace s3  }
0x95: {  	s3 =	sld [smem:$0x3FFD];
	_ =	sdelay $0x3  }
0x96: {  	_ =	strace s3  }
0x97: {  	_ =	strace $0x8FFFFFFF  }
0x98: {  	s19 =	sld [smem:$0x3FDB];
	_ =	sdelay $0x1  }
0x99: {  	s4 =	simm.s32 $_scs_section_size  }
0x9a: {  	s5 =	simm.s32 $_size__tile_overlayer_lowered;
	s6 =	simm.s32 $_tile_overlayer_lowered  }
0x9b: {  	s22 =	simm.s32 $0x1BFF;
	s21 =	sshll.u32 s6, $0x1;
	s3 =	sadd.s32 s4, s19  }
0x9c: {  	s7 =	simm.s32 $0x0;
	s20 =	sshll.u32 s5, $0x1;
	s5 =	sadd.s32 s21, s3  }
0x9d: {  	[timem:s7], [sflag:s22] =	dma.local [hbm:s5], s20  }
0x9e: {  	_ =	swait.ge [sflag:s22], s20  }
0x9f: {  	s4 =	ssub.s32 $0x0, s20;
	[sflag:s22] =	ssyncset.done $0x0  }
0xa0: {  	[sflag:s22] =	ssyncadd.s32 s4;
	_ =	sdelay $0x1  }
0xa1: {  	s23 =	simm.s32 $0x1B8B  }
0xa2: {  	_ =	swait.ge [sflag:s23], $0x1  }
0xa3: {  	[sflag:s23] =	ssyncset.done $0x0  }
0xa4: {  	s25 =	simm.s32 $0x1B8E;
	s24 =	sld [smem:$0x3FFE];
	[sflag:s23] =	ssyncadd.s32 $0xFFFFFFFF  }
0xa5: {  	s26 =	simm.s32 $execute0_lowered;
	[smem:$0x3FD2] =	sst s25  }
0xa6: {  	s5 =	sshll.u32 s26, $0x1;
	_ =	strace $0x80000046;
	[dreg:$0x1] =	wrdreg $0xFFFFFFFF  }
0xa7: {  	s28 =	simm.s32 $_size_execute0_lowered;
	s3 =	sadd.s32 s3, s5;
	[dreg:$0x0] =	wrdreg $0x0  }
0xa8: {  	s5 =	sshll.u32 s28, $0x1;
	[dreg:$0x2] =	wrdreg s3  }
0xa9: {  	[dreg:$0x3] =	wrdreg s5  }
0xaa: {  	[dreg:$0x4] =	wrdreg $0xC0  }
0xab: {  	_ =	task [dreg:s7], $0x5FFFF  }
0xac: {  	[dreg:$0x1] =	wrdreg $0xFFFFFFFF  }
0xad: {  	[dreg:$0x0] =	wrdreg $0x60  }
0xae: {  	[dreg:$0x2] =	wrdreg s24  }
0xaf: {  	[dreg:$0x3] =	wrdreg s2  }
0xb0: {  	[dreg:$0x4] =	wrdreg $0x9  }
0xb1: {  	_ =	task.clear_ibuf [dreg:s7], $0x5FFFF;
	_ =	strace $0x90000046  }
0xb2: {  	s29 =	simm.s32 $0x9;
	_ =	strace $0x80000048  }
0xb3: {  	_ =	swait.ge [sflag:s29], $0x1  }
0xb4: {  	[sflag:s29] =	ssyncadd.s32 $0xFFFFFFFF  }
0xb5: {  	_ =	strace $0x90000048  }
0xb6: {  	_ =	sfence  }
0xb7: {  	s30 =	sld [smem:$0x0];
	_ =	sdelay $0x2  }
0xb8: {  	s31 =	sshll.u32 s1, $0xD;
	s1 =	sshrl.u32 s1, $0x2  }
0xb9: {  	s3 =	sand.u32 $0x4000, s31;
	s1 =	sadd.s32 s1, s30  }
0xba: {  	s0 =	sor.u32 s3, s0;
	s1 =	sshll.u32 s1, $0x11  }
0xbb: {  	s0 =	sor.u32 s1, s0  }
0xbc: {  	s0 =	sadd.s32 $0x8F2B, s0  }
0xbd: {  	[sflag:s0] =	ssyncadd.remote.s32 $0x1  }
0xbe: {  	_ =	sfence.sel $0xFFFF  }
0xbf: {  	[dreg:$0x0] =	wrdreg $0xFFFFFFFF;
	(pc) =	sbr.abs _section_cstart, $3  }
0xc0: {  	[dreg:$0x1] =	wrdreg $0xFFFFFFFF  }
0xc1: {  	_ =	task.clear_ibuf [dreg:s7], $0x2FFFF;
	_ =	strace $0x9FFFFFFF  }
0xc2: {  	(tm) =	ssettm $0x7FFFFFFF  }
0xc3: {  	_ =	shalt  }
tec
execute0_lowered:
.L_overlay_start_1:
0x0: {  	(tag) =	ssettag $0x1  }
0x1: {  	s0 =	srdreg.scid;
	s1 =	rddreg [dreg:$0x0]  }
0x2: {  	s3 =	stileid.u32;
	s2 =	rddreg [dreg:$0x1];
	s13 =	simm.s32 $0x5  }
0x3: {  	s14 =	simm.s32 $0x28;
	s12 =	simm.s32 $0x190;
	s24 =	simm.s32 $0x280  }
0x4: {  	s25 =	simm.s32 $0x14320;
	s28 =	simm.s32 $0x15720;
	s29 =	simm.s32 $0x2D0  }
0x5: {  	s30 =	simm.s32 $0x16B20;
	s31 =	simm.s32 $0x2F8;
	s11 =	simm.s32 $0x4  }
0x6: {  	s16 =	simm.s32 $0x0;
	s4 =	sshll.u32 s3, $0x8;
	s3 =	simm.s32 $0x0  }
0x7: {  	s0 =	sand.u32 $0x1, s0;
	s6 =	sadd.s32 $0xC00, s1;
	[smem:$0x7FF] =	sst s3  }
0x8: {  	s5 =	sshll.u32 s0, $0x7;
	s0 =	ssub.s32 $0x2, s0;
	_ =	strace $0x80000047  }
0x9: {  	s4 =	sor.u32 s5, s4;
	s5 =	sadd.s32 $0xF43800, s1;
	s1 =	sadd.s32 $0xF43000, s1  }
0xa: {  	s26 =	sshrl.u32 s0, $0x1;
	s7 =	smul.u32 $0x6400, s4;
	[dreg:$0x3] =	wrdreg s1  }
0xb: {  	s0 =	ssub.s32 s0, s26;
	s8 =	sadd.s32 $0xFFFFFFFE, s4;
	s26 =	simm.s32 $0x2A8  }
0xc: {  	s1 =	simm.s32 $0x17F20;
	s0 =	smax.u32 s0, $0x1;
	s7 =	sshrl.u32 s7, $0x3  }
0xd: {  	[dreg:$0x4] =	wrdreg s0;
	s0 =	simm.s32 $0x1;
	s7 =	sadd.s32 s6, s7  }
0xe: {  	s9 =	sadd.s32 $0x62700, s7;
	s10 =	sadd.s32 $0x63380, s7;
	s7 =	simm.s32 $0x2  }
.LBB2_1:
0xf: {  	[dreg:$0x5] =	wrdreg s16  }
0x10: {  	s15 =	rddreg [dreg:$0x3];
	s23 =	simm.s32 $0x19320  }
0x11: {  	[tilespmem:s23], [sflag:$0x5] =	stream.linear.gather [hbm4b:s15+s3], $0x3200, $0x38;
	[tilespmem:$0x1C520] =	vst v63  }
0x12: {  	_ =	swait.ge [sflag:s13], $0x3200  }
0x13: {  	[sflag:s13] =	ssyncset.done $0x0  }
0x14: {  	s15 =	simm.s32 $0x0;
	[sflag:s13] =	ssyncadd.s32 $0xFFFFCE00  }
.LBB2_2:
0x15: {  	p0 =	seq.s32 s15, $0x0  }
0x16: {  	s18 =	simm.s32 @!p0 $0x3  }
0x17: {  	_ =	swait.ge @!p0 [sflag:s18], $0x3200  }
0x18: {  	s17 =	sshll.u32 s15, $0x2;
	[sflag:s18] =	ssyncset.done @!p0 $0x0  }
0x19: {  	s16 =	sor.u32 s4, s17;
	[sflag:s18] =	ssyncadd.s32 @!p0 $0xFFFFCE00  }
0x1a: {  	s19 =	smul.u32 $0x19, s16;
	_ =	swait.ge @!p0 [sflag:s18], $0x3200  }
0x1b: {  	[sflag:s18] =	ssyncset.done @!p0 $0x0  }
0x1c: {  	s23 =	sadd.s32 s2, s19;
	[sflag:s18] =	ssyncadd.s32 @!p0 $0xFFFFCE00  }
0x1d: {  	[tilespmem:s3], [sflag:$0x5] =	stream.linear.gather [hbm4b:s23+s3], $0x190, $0x38;
	[tilespmem:$0x1C520] =	vst v63  }
0x1e: {  	_ =	swait.ge [sflag:s13], $0x190  }
0x1f: {  	[sflag:s13] =	ssyncset.done $0x0  }
0x20: {  	s20 =	simm.s32 $0x19420;
	[sflag:s13] =	ssyncadd.s32 $0xFFFFFE70  }
0x21: {  	v0 =	vld [tilespmem:s20+$0xC0]  }
0x22: {  	v1 =	vld [tilespmem:s20+$0xFFFFFF40]  }
0x23: {  	v2 =	vld [tilespmem:s20+$0xFFFFFF80]  }
0x24: {  	v3 =	vld [tilespmem:s20+$0xFFFFFFC0]  }
0x25: {  	s18 =	simm.s32 $0x6AD0;
	v4 =	vld [tilespmem:s20+$0x0]  }
0x26: {  	v5 =	vld [tilespmem:s20+$0x40];
	[tilespmem:s18+$0xFFFF9BD0] =	vst v0  }
0x27: {  	[tilespmem:s18+$0xFFFF98D0] =	vst v1;
	v1 =	vld [tilespmem:s20+$0x80]  }
0x28: {  	[tilespmem:s18+$0xFFFF9950] =	vst v2;
	v2 =	vld [tilespmem:s20+$0xFFFFFF00]  }
0x29: {  	[tilespmem:s18+$0xFFFF99D0] =	vst v3;
	v0 =	vld [tilespmem:s20+$0xD0]  }
0x2a: {  	[tilespmem:s18+$0xFFFF9A50] =	vst v4;
	v3 =	vld [tilespmem:s20+$0xFFFFFF50]  }
0x2b: {  	[tilespmem:s18+$0xFFFF9AD0] =	vst v5;
	v4 =	vld [tilespmem:s20+$0xFFFFFF90]  }
0x2c: {  	v5 =	vld [tilespmem:s20+$0xFFFFFFD0];
	[tilespmem:s18+$0xFFFF9B50] =	vst v1  }
0x2d: {  	[tilespmem:s18+$0xFFFF9850] =	vst v2;
	v1 =	vld [tilespmem:s20+$0x10]  }
0x2e: {  	[tilespmem:s18+$0xFFFF9BE0] =	vst v0;
	v2 =	vld [tilespmem:s20+$0xFFFFFF10]  }
0x2f: {  	[tilespmem:s18+$0xFFFF98E0] =	vst v3;
	v3 =	vld [tilespmem:s20+$0x50]  }
0x30: {  	[tilespmem:s18+$0xFFFF9960] =	vst v4;
	v0 =	vld [tilespmem:s20+$0xE0]  }
0x31: {  	[tilespmem:s18+$0xFFFF99E0] =	vst v5;
	v4 =	vld [tilespmem:s20+$0x90]  }
0x32: {  	v5 =	vld [tilespmem:s20+$0xFFFFFF60];
	[tilespmem:s18+$0xFFFF9A60] =	vst v1  }
0x33: {  	v1 =	vld [tilespmem:s20+$0xFFFFFFA0];
	[tilespmem:s18+$0xFFFF9860] =	vst v2  }
0x34: {  	[tilespmem:s18+$0xFFFF9AE0] =	vst v3;
	v3 =	vld [tilespmem:s20+$0xFFFFFFE0]  }
0x35: {  	[tilespmem:s18+$0xFFFF9BF0] =	vst v0;
	v2 =	vld [tilespmem:s20+$0xFFFFFF20]  }
0x36: {  	[tilespmem:s18+$0xFFFF9B60] =	vst v4;
	v0 =	vld [tilespmem:s20+$0xF0]  }
0x37: {  	v4 =	vld [tilespmem:s20+$0x20];
	[tilespmem:s18+$0xFFFF98F0] =	vst v5  }
0x38: {  	v5 =	vld [tilespmem:s20+$0x60];
	[tilespmem:s18+$0xFFFF9970] =	vst v1  }
0x39: {  	v1 =	vld [tilespmem:s20+$0xA0];
	[tilespmem:s18+$0xFFFF99F0] =	vst v3  }
0x3a: {  	v3 =	vld [tilespmem:s20+$0xFFFFFF70];
	[tilespmem:s18+$0xFFFF9870] =	vst v2  }
0x3b: {  	[tilespmem:s18+$0xFFFF9C00] =	vst v0;
	v2 =	vld [tilespmem:s20+$0xFFFFFF30]  }
0x3c: {  	[tilespmem:s18+$0xFFFF9A70] =	vst v4;
	v0 =	vld [tilespmem:s20+$0xC0]  }
0x3d: {  	v4 =	vld [tilespmem:s20+$0xFFFFFFB0];
	[tilespmem:s18+$0xFFFF9AF0] =	vst v5  }
0x3e: {  	v5 =	vld [tilespmem:s20+$0xFFFFFFF0];
	[tilespmem:s18+$0xFFFF9B70] =	vst v1  }
0x3f: {  	v1 =	vld [tilespmem:s20+$0x30];
	[tilespmem:s18+$0xFFFF9900] =	vst v3  }
0x40: {  	v3 =	vld [tilespmem:s20+$0xB0];
	[tilespmem:s18+$0xFFFF9880] =	vst v2  }
0x41: {  	v2 =	vld [tilespmem:s20+$0x70];
	[tilespmem:s18+$0xFFFFFFD0] =	vst v0  }
0x42: {  	[tilespmem:s18+$0xFFFF9980] =	vst v4;
	v0 =	vld [tilespmem:s20+$0xD0]  }
0x43: {  	[tilespmem:s18+$0xFFFF9A00] =	vst v5;
	v5 =	vld [tilespmem:s20+$0xFFFFFF40]  }
0x44: {  	v4 =	vld [tilespmem:s20+$0xFFFFFF00];
	[tilespmem:s18+$0xFFFF9A80] =	vst v1  }
0x45: {  	v1 =	vld [tilespmem:s20+$0xFFFFFF80];
	[tilespmem:s18+$0xFFFF9B80] =	vst v3  }
0x46: {  	v3 =	vld [tilespmem:s20+$0x0];
	[tilespmem:s18+$0xFFFF9B00] =	vst v2  }
0x47: {  	v2 =	vld [tilespmem:s20+$0xFFFFFFC0];
	[tilespmem:s18+$0xFFFFFFE0] =	vst v0  }
0x48: {  	[tilespmem:s18+$0xFFFFFCD0] =	vst v5;
	v0 =	vld [tilespmem:s20+$0xE0]  }
0x49: {  	v5 =	vld [tilespmem:s20+$0x80];
	[tilespmem:s18+$0xFFFFFC50] =	vst v4  }
0x4a: {  	v4 =	vld [tilespmem:s20+$0x40];
	[tilespmem:s18+$0xFFFFFD50] =	vst v1  }
0x4b: {  	v1 =	vld [tilespmem:s20+$0xFFFFFF10];
	[tilespmem:s18+$0xFFFFFE50] =	vst v3  }
0x4c: {  	[tilespmem:s18+$0xFFFFFDD0] =	vst v2;
	v2 =	vld [tilespmem:s20+$0xFFFFFF50]  }
0x4d: {  	v3 =	vld [tilespmem:s20+$0xFFFFFF90];
	[tilespmem:s18+$0xFFFFFFF0] =	vst v0  }
0x4e: {  	[tilespmem:s18+$0xFFFFFF50] =	vst v5;
	v0 =	vld [tilespmem:s20+$0xF0]  }
0x4f: {  	v5 =	vld [tilespmem:s20+$0x10];
	[tilespmem:s18+$0xFFFFFED0] =	vst v4  }
0x50: {  	v4 =	vld [tilespmem:s20+$0xFFFFFFD0];
	[tilespmem:s18+$0xFFFFFC60] =	vst v1  }
0x51: {  	v1 =	vld [tilespmem:s20+$0x90];
	[tilespmem:s18+$0xFFFFFCE0] =	vst v2  }
0x52: {  	[tilespmem:s18+$0xFFFFFD60] =	vst v3;
	v3 =	vld [tilespmem:s20+$0xFFFFFF60]  }
0x53: {  	[tilespmem:s18+$0x0] =	vst v0;
	v0 =	vld [tilespmem:s20+$0x50]  }
0x54: {  	[tilespmem:s18+$0xFFFFFE60] =	vst v5;
	v2 =	vld [tilespmem:s20+$0xFFFFFF20]  }
0x55: {  	v6 =	vld [tilespmem:s20+$0x20];
	[tilespmem:s18+$0xFFFFFDE0] =	vst v4  }
0x56: {  	v4 =	vld [tilespmem:s20+$0xFFFFFFA0];
	[tilespmem:s18+$0xFFFFFF60] =	vst v1  }
0x57: {  	v5 =	vld [tilespmem:s20+$0xFFFFFFE0];
	[tilespmem:s18+$0xFFFFFCF0] =	vst v3  }
0x58: {  	v3 =	vld [tilespmem:s20+$0xA0];
	[tilespmem:s18+$0xFFFFFEE0] =	vst v0  }
0x59: {  	[tilespmem:s18+$0xFFFFFC70] =	vst v2;
	v2 =	vld [tilespmem:s20+$0x60]  }
0x5a: {  	[tilespmem:s18+$0xFFFFFE70] =	vst v6;
	v7 =	vld [tilespmem:s20+$0xFFFFFF30]  }
0x5b: {  	[tilespmem:s18+$0xFFFFFD70] =	vst v4;
	v4 =	vld [tilespmem:s20+$0xFFFFFF70]  }
0x5c: {  	[tilespmem:s18+$0xFFFFFDF0] =	vst v5;
	v0 =	vld [tilespmem:s20+$0xFFFFFFB0]  }
0x5d: {  	v1 =	vld [tilespmem:s20+$0xFFFFFFF0];
	[tilespmem:s18+$0xFFFFFF70] =	vst v3  }
0x5e: {  	[tilespmem:s18+$0xFFFFFEF0] =	vst v2;
	v2 =	vld [tilespmem:s20+$0x30]  }
0x5f: {  	[tilespmem:s18+$0xFFFFFC80] =	vst v7;
	v3 =	vld [tilespmem:s20+$0x70]  }
0x60: {  	s19 =	simm.s32 $0x0;
	[tilespmem:s18+$0xFFFFFD00] =	vst v4;
	v4 =	vld [tilespmem:s20+$0xB0];
	s20 =	simm.s32 $0x19620  }
.LBB2_3:
0x61: {  	v5 =	vld [tilespmem:s20+$0xC0];
	s19 =	sadd.s32 $0x8, s19;
	[tilespmem:s18+$0xFFFFFD80] =	vst v0  }
0x62: {  	v0 =	vld [tilespmem:s20+$0xFFFFFF40];
	p1 =	slt.u32 s19, $0xC0;
	[tilespmem:s18+$0xFFFFFE00] =	vst v1  }
0x63: {  	v1 =	vld [tilespmem:s20+$0xFFFFFF80];
	[tilespmem:s18+$0xFFFFFE80] =	vst v2  }
0x64: {  	v2 =	vld [tilespmem:s20+$0xFFFFFFC0];
	[tilespmem:s18+$0xFFFFFF00] =	vst v3  }
0x65: {  	v3 =	vld [tilespmem:s20+$0x0];
	[tilespmem:s18+$0xFFFFFF80] =	vst v4;
	s18 =	sadd.s32 $0x400, s18  }
0x66: {  	v4 =	vld [tilespmem:s20+$0x40];
	[tilespmem:s18+$0xFFFF9BD0] =	vst v5  }
0x67: {  	[tilespmem:s18+$0xFFFF98D0] =	vst v0;
	v0 =	vld [tilespmem:s20+$0xD0]  }
0x68: {  	[tilespmem:s18+$0xFFFF9950] =	vst v1;
	v1 =	vld [tilespmem:s20+$0x80]  }
0x69: {  	v5 =	vld [tilespmem:s20+$0xFFFFFF00];
	[tilespmem:s18+$0xFFFF99D0] =	vst v2  }
0x6a: {  	v2 =	vld [tilespmem:s20+$0xFFFFFF50];
	[tilespmem:s18+$0xFFFF9A50] =	vst v3  }
0x6b: {  	v3 =	vld [tilespmem:s20+$0xFFFFFF90];
	[tilespmem:s18+$0xFFFF9AD0] =	vst v4  }
0x6c: {  	v4 =	vld [tilespmem:s20+$0xFFFFFFD0];
	[tilespmem:s18+$0xFFFF9BE0] =	vst v0  }
0x6d: {  	[tilespmem:s18+$0xFFFF9B50] =	vst v1;
	v0 =	vld [tilespmem:s20+$0xE0]  }
0x6e: {  	[tilespmem:s18+$0xFFFF9850] =	vst v5;
	v1 =	vld [tilespmem:s20+$0x10]  }
0x6f: {  	v5 =	vld [tilespmem:s20+$0xFFFFFF10];
	[tilespmem:s18+$0xFFFF98E0] =	vst v2  }
0x70: {  	[tilespmem:s18+$0xFFFF9960] =	vst v3;
	v2 =	vld [tilespmem:s20+$0x50]  }
0x71: {  	[tilespmem:s18+$0xFFFF99E0] =	vst v4;
	v3 =	vld [tilespmem:s20+$0x90]  }
0x72: {  	v4 =	vld [tilespmem:s20+$0xFFFFFF60];
	[tilespmem:s18+$0xFFFF9BF0] =	vst v0  }
0x73: {  	[tilespmem:s18+$0xFFFF9A60] =	vst v1;
	v0 =	vld [tilespmem:s20+$0xF0]  }
0x74: {  	[tilespmem:s18+$0xFFFF9860] =	vst v5;
	v1 =	vld [tilespmem:s20+$0xFFFFFFA0]  }
0x75: {  	v5 =	vld [tilespmem:s20+$0xFFFFFF20];
	[tilespmem:s18+$0xFFFF9AE0] =	vst v2  }
0x76: {  	v2 =	vld [tilespmem:s20+$0xFFFFFFE0];
	[tilespmem:s18+$0xFFFF9B60] =	vst v3  }
0x77: {  	[tilespmem:s18+$0xFFFF98F0] =	vst v4;
	v3 =	vld [tilespmem:s20+$0x20]  }
0x78: {  	v4 =	vld [tilespmem:s20+$0x60];
	[tilespmem:s18+$0xFFFF9C00] =	vst v0  }
0x79: {  	[tilespmem:s18+$0xFFFF9970] =	vst v1;
	v0 =	vld [tilespmem:s20+$0xC0]  }
0x7a: {  	[tilespmem:s18+$0xFFFF9870] =	vst v5;
	v1 =	vld [tilespmem:s20+$0xA0]  }
0x7b: {  	v5 =	vld [tilespmem:s20+$0xFFFFFF30];
	[tilespmem:s18+$0xFFFF99F0] =	vst v2  }
0x7c: {  	v2 =	vld [tilespmem:s20+$0xFFFFFF70];
	[tilespmem:s18+$0xFFFF9A70] =	vst v3  }
0x7d: {  	v3 =	vld [tilespmem:s20+$0xFFFFFFB0];
	[tilespmem:s18+$0xFFFF9AF0] =	vst v4  }
0x7e: {  	v4 =	vld [tilespmem:s20+$0xFFFFFFF0];
	[tilespmem:s18+$0xFFFFFFD0] =	vst v0  }
0x7f: {  	[tilespmem:s18+$0xFFFF9B70] =	vst v1;
	v0 =	vld [tilespmem:s20+$0xD0]  }
0x80: {  	[tilespmem:s18+$0xFFFF9880] =	vst v5;
	v1 =	vld [tilespmem:s20+$0x30]  }
0x81: {  	[tilespmem:s18+$0xFFFF9900] =	vst v2;
	v2 =	vld [tilespmem:s20+$0x70]  }
0x82: {  	[tilespmem:s18+$0xFFFF9980] =	vst v3;
	v3 =	vld [tilespmem:s20+$0xB0]  }
0x83: {  	v5 =	vld [tilespmem:s20+$0xFFFFFF00];
	[tilespmem:s18+$0xFFFF9A00] =	vst v4  }
0x84: {  	v4 =	vld [tilespmem:s20+$0xFFFFFF40];
	[tilespmem:s18+$0xFFFFFFE0] =	vst v0  }
0x85: {  	[tilespmem:s18+$0xFFFF9A80] =	vst v1;
	v0 =	vld [tilespmem:s20+$0xE0]  }
0x86: {  	v1 =	vld [tilespmem:s20+$0xFFFFFF80];
	[tilespmem:s18+$0xFFFF9B00] =	vst v2  }
0x87: {  	v2 =	vld [tilespmem:s20+$0xFFFFFFC0];
	[tilespmem:s18+$0xFFFF9B80] =	vst v3  }
0x88: {  	[tilespmem:s18+$0xFFFFFC50] =	vst v5;
	v3 =	vld [tilespmem:s20+$0x0]  }
0x89: {  	[tilespmem:s18+$0xFFFFFCD0] =	vst v4;
	v4 =	vld [tilespmem:s20+$0x40]  }
0x8a: {  	v5 =	vld [tilespmem:s20+$0x80];
	[tilespmem:s18+$0xFFFFFFF0] =	vst v0  }
0x8b: {  	[tilespmem:s18+$0xFFFFFD50] =	vst v1;
	v0 =	vld [tilespmem:s20+$0xF0]  }
0x8c: {  	v1 =	vld [tilespmem:s20+$0xFFFFFF10];
	[tilespmem:s18+$0xFFFFFDD0] =	vst v2  }
0x8d: {  	v2 =	vld [tilespmem:s20+$0xFFFFFF50];
	[tilespmem:s18+$0xFFFFFE50] =	vst v3  }
0x8e: {  	v3 =	vld [tilespmem:s20+$0xFFFFFF90];
	[tilespmem:s18+$0xFFFFFED0] =	vst v4  }
0x8f: {  	v4 =	vld [tilespmem:s20+$0xFFFFFFD0];
	[tilespmem:s18+$0xFFFFFF50] =	vst v5  }
0x90: {  	v5 =	vld [tilespmem:s20+$0x10];
	[tilespmem:s18+$0x0] =	vst v0  }
0x91: {  	[tilespmem:s18+$0xFFFFFC60] =	vst v1;
	v0 =	vld [tilespmem:s20+$0x50]  }
0x92: {  	[tilespmem:s18+$0xFFFFFCE0] =	vst v2;
	v1 =	vld [tilespmem:s20+$0x90]  }
0x93: {  	v2 =	vld [tilespmem:s20+$0xFFFFFF20];
	[tilespmem:s18+$0xFFFFFD60] =	vst v3  }
0x94: {  	v3 =	vld [tilespmem:s20+$0xFFFFFF60];
	[tilespmem:s18+$0xFFFFFDE0] =	vst v4  }
0x95: {  	v4 =	vld [tilespmem:s20+$0xFFFFFFA0];
	[tilespmem:s18+$0xFFFFFE60] =	vst v5  }
0x96: {  	v5 =	vld [tilespmem:s20+$0xFFFFFFE0];
	[tilespmem:s18+$0xFFFFFEE0] =	vst v0  }
0x97: {  	v6 =	vld [tilespmem:s20+$0x20];
	[tilespmem:s18+$0xFFFFFF60] =	vst v1  }
0x98: {  	[tilespmem:s18+$0xFFFFFC70] =	vst v2;
	v2 =	vld [tilespmem:s20+$0x60]  }
0x99: {  	[tilespmem:s18+$0xFFFFFCF0] =	vst v3;
	v3 =	vld [tilespmem:s20+$0xA0]  }
0x9a: {  	v7 =	vld [tilespmem:s20+$0xFFFFFF30];
	[tilespmem:s18+$0xFFFFFD70] =	vst v4  }
0x9b: {  	v4 =	vld [tilespmem:s20+$0xFFFFFF70];
	[tilespmem:s18+$0xFFFFFDF0] =	vst v5  }
.Ltmp0:
0x9c: {  	v0 =	vld [tilespmem:s20+$0xFFFFFFB0];
	[tilespmem:s18+$0xFFFFFE70] =	vst v6;
	(pc) =	sbr.rel @p1 .LBB2_3-.Ltmp0, $4  }
0x9d: {  	v1 =	vld [tilespmem:s20+$0xFFFFFFF0];
	[tilespmem:s18+$0xFFFFFEF0] =	vst v2  }
0x9e: {  	v2 =	vld [tilespmem:s20+$0x30];
	[tilespmem:s18+$0xFFFFFF70] =	vst v3  }
0x9f: {  	[tilespmem:s18+$0xFFFFFC80] =	vst v7;
	v3 =	vld [tilespmem:s20+$0x70]  }
0xa0: {  	[tilespmem:s18+$0xFFFFFD00] =	vst v4;
	v4 =	vld [tilespmem:s20+$0xB0];
	s20 =	sadd.s32 $0x200, s20  }
0xa1: {  	[tilespmem:s18+$0xFFFFFD80] =	vst v0  }
0xa2: {  	[tilespmem:s18+$0xFFFFFE00] =	vst v1  }
0xa3: {  	[tilespmem:s18+$0xFFFFFE80] =	vst v2  }
0xa4: {  	[tilespmem:s18+$0xFFFFFF00] =	vst v3  }
0xa5: {  	s19 =	simm.s32 $0x320;
	[tilespmem:s18+$0xFFFFFF80] =	vst v4  }
0xa6: {  	[tilespmem:s19], [sflag:$0x1] =	stream.indirect.gather.add.f32 [hbm:s5], $0x80, s3, s14, $0xb8;
	[tilespmem:$0x1C520] =	vst v63  }
0xa7: {  	s20 =	simm.s32 $0x1720  }
0xa8: {  	[tilespmem:s20], [sflag:$0x1] =	stream.indirect.gather.add.f32 [hbm:s5], $0x80, s14, s14, $0xb8;
	[tilespmem:$0x1C520] =	vst v63  }
0xa9: {  	s21 =	simm.s32 $0x50;
	s19 =	simm.s32 $0x2B20  }
0xaa: {  	[tilespmem:s19], [sflag:$0x1] =	stream.indirect.gather.add.f32 [hbm:s5], $0x80, s21, s14, $0xb8;
	[tilespmem:$0x1C520] =	vst v63  }
0xab: {  	s22 =	simm.s32 $0x78;
	s23 =	simm.s32 $0x3F20  }
0xac: {  	[tilespmem:s23], [sflag:$0x1] =	stream.indirect.gather.add.f32 [hbm:s5], $0x80, s22, s14, $0xb8;
	[tilespmem:$0x1C520] =	vst v63  }
0xad: {  	s20 =	simm.s32 $0xA0;
	s21 =	simm.s32 $0x5320  }
0xae: {  	[tilespmem:s21], [sflag:$0x1] =	stream.indirect.gather.add.f32 [hbm:s5], $0x80, s20, s14, $0xb8;
	[tilespmem:$0x1C520] =	vst v63  }
0xaf: {  	s22 =	simm.s32 $0xC8;
	s23 =	simm.s32 $0x6720  }
0xb0: {  	[tilespmem:s23], [sflag:$0x1] =	stream.indirect.gather.add.f32 [hbm:s5], $0x80, s22, s14, $0xb8;
	[tilespmem:$0x1C520] =	vst v63  }
0xb1: {  	s20 =	simm.s32 $0xF0;
	s21 =	simm.s32 $0x7B20  }
0xb2: {  	[tilespmem:s21], [sflag:$0x1] =	stream.indirect.gather.add.f32 [hbm:s5], $0x80, s20, s14, $0xb8;
	[tilespmem:$0x1C520] =	vst v63  }
0xb3: {  	s22 =	simm.s32 $0x118;
	s23 =	simm.s32 $0x8F20  }
0xb4: {  	[tilespmem:s23], [sflag:$0x1] =	stream.indirect.gather.add.f32 [hbm:s5], $0x80, s22, s14, $0xb8;
	[tilespmem:$0x1C520] =	vst v63  }
.Ltmp1:
0xb5: {  	_ = 	snop;
	(pc) =	sbr.rel @p0 .LBB2_10-.Ltmp1, $4  }
0xb6: {  	s20 =	simm.s32 $0x140;
	s21 =	simm.s32 $0xA320  }
0xb7: {  	[tilespmem:s21], [sflag:$0x1] =	stream.indirect.gather.add.f32 [hbm:s5], $0x80, s20, s14, $0xb8;
	[tilespmem:$0x1C520] =	vst v63  }
0xb8: {  	s22 =	simm.s32 $0x168;
	s23 =	simm.s32 $0xB720  }
0xb9: {  	[tilespmem:s23], [sflag:$0x1] =	stream.indirect.gather.add.f32 [hbm:s5], $0x80, s22, s14, $0xb8;
	[tilespmem:$0x1C520] =	vst v63  }
0xba: {  	s18 =	sadd.s32 s17, s8  }
0xbb: {  	s18 =	smul.u32 $0x6400, s18;
	_ =	sdelay $0x1  }
0xbc: {  	_ =	swait.ge [sflag:s7], $0xC800;
	s20 =	simm.s32 $0xCB20;
	s19 =	sshrl.u32 s18, $0x3  }
0xbd: {  	s21 =	simm.s32 $0x10;
	[sflag:s7] =	ssyncset.done $0x0;
	s19 =	sadd.s32 s6, s19  }
0xbe: {  	s22 =	simm.s32 $0xCBA0;
	[sflag:s7] =	ssyncadd.s32 $0xFFFF3800;
	s23 =	sadd.s32 $0x0, s19  }
.LBB2_6:
0xbf: {  	[hbm4b:s23+s3] =	stream.linear.scatter [tilespmem:s20], [sflag:$0x4], $0x40, $0x38;
	[tilespmem:$0x1C520] =	vst v63  }
0xc0: {  	s23 =	smov.u32 s21;
	s20 =	smov.u32 s22;
	p0 =	sne.s32 s21, $0xC70  }
.Ltmp2:
0xc1: {  	s21 =	sadd.s32 $0x10, s21;
	(pc) =	sbr.rel @p0 .LBB2_6-.Ltmp2, $2  }
0xc2: {  	_ =	sdelay $0x2  }
0xc3: {  	s22 =	sadd.s32 $0x80, s22;
	s23 =	sadd.s32 s23, s19  }
0xc4: {  	[hbm4b:s23+s3] =	stream.linear.scatter [tilespmem:s20], [sflag:$0x4], $0x40, $0x38;
	[tilespmem:$0x1C520] =	vst v63  }
0xc5: {  	s18 =	sadd.s32 $0x6400, s18  }
0xc6: {  	s18 =	sshrl.u32 s18, $0x3  }
0xc7: {  	s19 =	simm.s32 $0x12F20;
	s18 =	sadd.s32 s6, s18  }
0xc8: {  	s20 =	simm.s32 $0x10;
	s21 =	simm.s32 $0x12FA0;
	s22 =	sadd.s32 $0x0, s18  }
.LBB2_8:
0xc9: {  	[hbm4b:s22+s3] =	stream.linear.scatter [tilespmem:s19], [sflag:$0x4], $0x40, $0x38;
	[tilespmem:$0x1C520] =	vst v63  }
0xca: {  	s22 =	smov.u32 s20;
	s19 =	smov.u32 s21;
	p0 =	sne.s32 s20, $0xC70  }
.Ltmp3:
0xcb: {  	s20 =	sadd.s32 $0x10, s20;
	(pc) =	sbr.rel @p0 .LBB2_8-.Ltmp3, $2  }
0xcc: {  	_ =	sdelay $0x2  }
0xcd: {  	s21 =	sadd.s32 $0x80, s21;
	s22 =	sadd.s32 s22, s18  }
0xce: {  	[hbm4b:s22+s3] =	stream.linear.scatter [tilespmem:s19], [sflag:$0x4], $0x40, $0x38;
	[tilespmem:$0x1C520] =	vst v63  }
0xcf: {  	_ =	swait.ge [sflag:s11], $0x3200  }
0xd0: {  	[sflag:s11] =	ssyncset.done $0x0  }
0xd1: {  	[sflag:s11] =	ssyncadd.s32 $0xFFFFCE00  }
0xd2: {  	_ =	swait.ge [sflag:s11], $0x3200  }
0xd3: {  	[sflag:s11] =	ssyncset.done $0x0  }
0xd4: {  	[sflag:s11] =	ssyncadd.s32 $0xFFFFCE00  }
.LBB2_10:
0xd5: {  	s17 =	sadd.s32 s17, s4  }
0xd6: {  	s17 =	smul.u32 $0x19, s17;
	_ =	sdelay $0x1  }
0xd7: {  	s17 =	sadd.s32 s2, s17  }
0xd8: {  	s17 =	sadd.s32 $0x32, s17  }
0xd9: {  	[tilespmem:s12], [sflag:$0x5] =	stream.linear.gather [hbm4b:s17+s3], $0x190, $0x38;
	[tilespmem:$0x1C520] =	vst v63  }
0xda: {  	_ =	swait.ge [sflag:s13], $0x190  }
0xdb: {  	[sflag:s13] =	ssyncset.done $0x0  }
0xdc: {  	s19 =	simm.s32 $0x19420;
	[sflag:s13] =	ssyncadd.s32 $0xFFFFFE70  }
0xdd: {  	v0 =	vld [tilespmem:s19+$0xC0]  }
0xde: {  	v1 =	vld [tilespmem:s19+$0xFFFFFF40]  }
0xdf: {  	v2 =	vld [tilespmem:s19+$0xFFFFFF80]  }
0xe0: {  	v3 =	vld [tilespmem:s19+$0xFFFFFFC0]  }
0xe1: {  	s17 =	simm.s32 $0x132D0;
	v4 =	vld [tilespmem:s19+$0x0]  }
0xe2: {  	v5 =	vld [tilespmem:s19+$0x40];
	[tilespmem:s17+$0xFFFF9BD0] =	vst v0  }
0xe3: {  	[tilespmem:s17+$0xFFFF98D0] =	vst v1;
	v1 =	vld [tilespmem:s19+$0x80]  }
0xe4: {  	[tilespmem:s17+$0xFFFF9950] =	vst v2;
	v2 =	vld [tilespmem:s19+$0xFFFFFF00]  }
0xe5: {  	[tilespmem:s17+$0xFFFF99D0] =	vst v3;
	v0 =	vld [tilespmem:s19+$0xD0]  }
0xe6: {  	[tilespmem:s17+$0xFFFF9A50] =	vst v4;
	v3 =	vld [tilespmem:s19+$0xFFFFFF50]  }
0xe7: {  	[tilespmem:s17+$0xFFFF9AD0] =	vst v5;
	v4 =	vld [tilespmem:s19+$0xFFFFFF90]  }
0xe8: {  	v5 =	vld [tilespmem:s19+$0xFFFFFFD0];
	[tilespmem:s17+$0xFFFF9B50] =	vst v1  }
0xe9: {  	[tilespmem:s17+$0xFFFF9850] =	vst v2;
	v1 =	vld [tilespmem:s19+$0x10]  }
0xea: {  	[tilespmem:s17+$0xFFFF9BE0] =	vst v0;
	v2 =	vld [tilespmem:s19+$0xFFFFFF10]  }
0xeb: {  	[tilespmem:s17+$0xFFFF98E0] =	vst v3;
	v3 =	vld [tilespmem:s19+$0x50]  }
0xec: {  	[tilespmem:s17+$0xFFFF9960] =	vst v4;
	v0 =	vld [tilespmem:s19+$0xE0]  }
0xed: {  	[tilespmem:s17+$0xFFFF99E0] =	vst v5;
	v4 =	vld [tilespmem:s19+$0x90]  }
0xee: {  	v5 =	vld [tilespmem:s19+$0xFFFFFF60];
	[tilespmem:s17+$0xFFFF9A60] =	vst v1  }
0xef: {  	v1 =	vld [tilespmem:s19+$0xFFFFFFA0];
	[tilespmem:s17+$0xFFFF9860] =	vst v2  }
0xf0: {  	[tilespmem:s17+$0xFFFF9AE0] =	vst v3;
	v3 =	vld [tilespmem:s19+$0xFFFFFFE0]  }
0xf1: {  	[tilespmem:s17+$0xFFFF9BF0] =	vst v0;
	v2 =	vld [tilespmem:s19+$0xFFFFFF20]  }
0xf2: {  	[tilespmem:s17+$0xFFFF9B60] =	vst v4;
	v0 =	vld [tilespmem:s19+$0xF0]  }
0xf3: {  	v4 =	vld [tilespmem:s19+$0x20];
	[tilespmem:s17+$0xFFFF98F0] =	vst v5  }
0xf4: {  	v5 =	vld [tilespmem:s19+$0x60];
	[tilespmem:s17+$0xFFFF9970] =	vst v1  }
0xf5: {  	v1 =	vld [tilespmem:s19+$0xA0];
	[tilespmem:s17+$0xFFFF99F0] =	vst v3  }
0xf6: {  	v3 =	vld [tilespmem:s19+$0xFFFFFF70];
	[tilespmem:s17+$0xFFFF9870] =	vst v2  }
0xf7: {  	[tilespmem:s17+$0xFFFF9C00] =	vst v0;
	v2 =	vld [tilespmem:s19+$0xFFFFFF30]  }
0xf8: {  	[tilespmem:s17+$0xFFFF9A70] =	vst v4;
	v0 =	vld [tilespmem:s19+$0xC0]  }
0xf9: {  	v4 =	vld [tilespmem:s19+$0xFFFFFFB0];
	[tilespmem:s17+$0xFFFF9AF0] =	vst v5  }
0xfa: {  	v5 =	vld [tilespmem:s19+$0xFFFFFFF0];
	[tilespmem:s17+$0xFFFF9B70] =	vst v1  }
0xfb: {  	v1 =	vld [tilespmem:s19+$0x30];
	[tilespmem:s17+$0xFFFF9900] =	vst v3  }
0xfc: {  	v3 =	vld [tilespmem:s19+$0xB0];
	[tilespmem:s17+$0xFFFF9880] =	vst v2  }
0xfd: {  	v2 =	vld [tilespmem:s19+$0x70];
	[tilespmem:s17+$0xFFFFFFD0] =	vst v0  }
0xfe: {  	[tilespmem:s17+$0xFFFF9980] =	vst v4;
	v0 =	vld [tilespmem:s19+$0xD0]  }
0xff: {  	[tilespmem:s17+$0xFFFF9A00] =	vst v5;
	v5 =	vld [tilespmem:s19+$0xFFFFFF40]  }
0x100: {  	v4 =	vld [tilespmem:s19+$0xFFFFFF00];
	[tilespmem:s17+$0xFFFF9A80] =	vst v1  }
0x101: {  	v1 =	vld [tilespmem:s19+$0xFFFFFF80];
	[tilespmem:s17+$0xFFFF9B80] =	vst v3  }
0x102: {  	v3 =	vld [tilespmem:s19+$0x0];
	[tilespmem:s17+$0xFFFF9B00] =	vst v2  }
0x103: {  	v2 =	vld [tilespmem:s19+$0xFFFFFFC0];
	[tilespmem:s17+$0xFFFFFFE0] =	vst v0  }
0x104: {  	[tilespmem:s17+$0xFFFFFCD0] =	vst v5;
	v0 =	vld [tilespmem:s19+$0xE0]  }
0x105: {  	v5 =	vld [tilespmem:s19+$0x80];
	[tilespmem:s17+$0xFFFFFC50] =	vst v4  }
0x106: {  	v4 =	vld [tilespmem:s19+$0x40];
	[tilespmem:s17+$0xFFFFFD50] =	vst v1  }
0x107: {  	v1 =	vld [tilespmem:s19+$0xFFFFFF10];
	[tilespmem:s17+$0xFFFFFE50] =	vst v3  }
0x108: {  	[tilespmem:s17+$0xFFFFFDD0] =	vst v2;
	v2 =	vld [tilespmem:s19+$0xFFFFFF50]  }
0x109: {  	v3 =	vld [tilespmem:s19+$0xFFFFFF90];
	[tilespmem:s17+$0xFFFFFFF0] =	vst v0  }
0x10a: {  	[tilespmem:s17+$0xFFFFFF50] =	vst v5;
	v0 =	vld [tilespmem:s19+$0xF0]  }
0x10b: {  	v5 =	vld [tilespmem:s19+$0x10];
	[tilespmem:s17+$0xFFFFFED0] =	vst v4  }
0x10c: {  	v4 =	vld [tilespmem:s19+$0xFFFFFFD0];
	[tilespmem:s17+$0xFFFFFC60] =	vst v1  }
0x10d: {  	v1 =	vld [tilespmem:s19+$0x90];
	[tilespmem:s17+$0xFFFFFCE0] =	vst v2  }
0x10e: {  	[tilespmem:s17+$0xFFFFFD60] =	vst v3;
	v3 =	vld [tilespmem:s19+$0xFFFFFF60]  }
0x10f: {  	[tilespmem:s17+$0x0] =	vst v0;
	v0 =	vld [tilespmem:s19+$0x50]  }
0x110: {  	[tilespmem:s17+$0xFFFFFE60] =	vst v5;
	v2 =	vld [tilespmem:s19+$0xFFFFFF20]  }
0x111: {  	v6 =	vld [tilespmem:s19+$0x20];
	[tilespmem:s17+$0xFFFFFDE0] =	vst v4  }
0x112: {  	v4 =	vld [tilespmem:s19+$0xFFFFFFA0];
	[tilespmem:s17+$0xFFFFFF60] =	vst v1  }
0x113: {  	v5 =	vld [tilespmem:s19+$0xFFFFFFE0];
	[tilespmem:s17+$0xFFFFFCF0] =	vst v3  }
0x114: {  	v3 =	vld [tilespmem:s19+$0xA0];
	[tilespmem:s17+$0xFFFFFEE0] =	vst v0  }
0x115: {  	[tilespmem:s17+$0xFFFFFC70] =	vst v2;
	v2 =	vld [tilespmem:s19+$0x60]  }
0x116: {  	[tilespmem:s17+$0xFFFFFE70] =	vst v6;
	v7 =	vld [tilespmem:s19+$0xFFFFFF30]  }
0x117: {  	[tilespmem:s17+$0xFFFFFD70] =	vst v4;
	v4 =	vld [tilespmem:s19+$0xFFFFFF70]  }
0x118: {  	[tilespmem:s17+$0xFFFFFDF0] =	vst v5;
	v0 =	vld [tilespmem:s19+$0xFFFFFFB0]  }
0x119: {  	v1 =	vld [tilespmem:s19+$0xFFFFFFF0];
	[tilespmem:s17+$0xFFFFFF70] =	vst v3  }
0x11a: {  	[tilespmem:s17+$0xFFFFFEF0] =	vst v2;
	v2 =	vld [tilespmem:s19+$0x30]  }
0x11b: {  	[tilespmem:s17+$0xFFFFFC80] =	vst v7;
	v3 =	vld [tilespmem:s19+$0x70]  }
0x11c: {  	s18 =	simm.s32 $0x0;
	[tilespmem:s17+$0xFFFFFD00] =	vst v4;
	v4 =	vld [tilespmem:s19+$0xB0];
	s19 =	simm.s32 $0x19620  }
.LBB2_11:
0x11d: {  	v5 =	vld [tilespmem:s19+$0xC0];
	s18 =	sadd.s32 $0x8, s18;
	[tilespmem:s17+$0xFFFFFD80] =	vst v0  }
0x11e: {  	v0 =	vld [tilespmem:s19+$0xFFFFFF40];
	p0 =	slt.u32 s18, $0xC0;
	[tilespmem:s17+$0xFFFFFE00] =	vst v1  }
0x11f: {  	v1 =	vld [tilespmem:s19+$0xFFFFFF80];
	[tilespmem:s17+$0xFFFFFE80] =	vst v2  }
0x120: {  	v2 =	vld [tilespmem:s19+$0xFFFFFFC0];
	[tilespmem:s17+$0xFFFFFF00] =	vst v3  }
0x121: {  	v3 =	vld [tilespmem:s19+$0x0];
	[tilespmem:s17+$0xFFFFFF80] =	vst v4;
	s17 =	sadd.s32 $0x400, s17  }
0x122: {  	v4 =	vld [tilespmem:s19+$0x40];
	[tilespmem:s17+$0xFFFF9BD0] =	vst v5  }
0x123: {  	[tilespmem:s17+$0xFFFF98D0] =	vst v0;
	v0 =	vld [tilespmem:s19+$0xD0]  }
0x124: {  	[tilespmem:s17+$0xFFFF9950] =	vst v1;
	v1 =	vld [tilespmem:s19+$0x80]  }
0x125: {  	v5 =	vld [tilespmem:s19+$0xFFFFFF00];
	[tilespmem:s17+$0xFFFF99D0] =	vst v2  }
0x126: {  	v2 =	vld [tilespmem:s19+$0xFFFFFF50];
	[tilespmem:s17+$0xFFFF9A50] =	vst v3  }
0x127: {  	v3 =	vld [tilespmem:s19+$0xFFFFFF90];
	[tilespmem:s17+$0xFFFF9AD0] =	vst v4  }
0x128: {  	v4 =	vld [tilespmem:s19+$0xFFFFFFD0];
	[tilespmem:s17+$0xFFFF9BE0] =	vst v0  }
0x129: {  	[tilespmem:s17+$0xFFFF9B50] =	vst v1;
	v0 =	vld [tilespmem:s19+$0xE0]  }
0x12a: {  	[tilespmem:s17+$0xFFFF9850] =	vst v5;
	v1 =	vld [tilespmem:s19+$0x10]  }
0x12b: {  	v5 =	vld [tilespmem:s19+$0xFFFFFF10];
	[tilespmem:s17+$0xFFFF98E0] =	vst v2  }
0x12c: {  	[tilespmem:s17+$0xFFFF9960] =	vst v3;
	v2 =	vld [tilespmem:s19+$0x50]  }
0x12d: {  	[tilespmem:s17+$0xFFFF99E0] =	vst v4;
	v3 =	vld [tilespmem:s19+$0x90]  }
0x12e: {  	v4 =	vld [tilespmem:s19+$0xFFFFFF60];
	[tilespmem:s17+$0xFFFF9BF0] =	vst v0  }
0x12f: {  	[tilespmem:s17+$0xFFFF9A60] =	vst v1;
	v0 =	vld [tilespmem:s19+$0xF0]  }
0x130: {  	[tilespmem:s17+$0xFFFF9860] =	vst v5;
	v1 =	vld [tilespmem:s19+$0xFFFFFFA0]  }
0x131: {  	v5 =	vld [tilespmem:s19+$0xFFFFFF20];
	[tilespmem:s17+$0xFFFF9AE0] =	vst v2  }
0x132: {  	v2 =	vld [tilespmem:s19+$0xFFFFFFE0];
	[tilespmem:s17+$0xFFFF9B60] =	vst v3  }
0x133: {  	[tilespmem:s17+$0xFFFF98F0] =	vst v4;
	v3 =	vld [tilespmem:s19+$0x20]  }
0x134: {  	v4 =	vld [tilespmem:s19+$0x60];
	[tilespmem:s17+$0xFFFF9C00] =	vst v0  }
0x135: {  	[tilespmem:s17+$0xFFFF9970] =	vst v1;
	v0 =	vld [tilespmem:s19+$0xC0]  }
0x136: {  	[tilespmem:s17+$0xFFFF9870] =	vst v5;
	v1 =	vld [tilespmem:s19+$0xA0]  }
0x137: {  	v5 =	vld [tilespmem:s19+$0xFFFFFF30];
	[tilespmem:s17+$0xFFFF99F0] =	vst v2  }
0x138: {  	v2 =	vld [tilespmem:s19+$0xFFFFFF70];
	[tilespmem:s17+$0xFFFF9A70] =	vst v3  }
0x139: {  	v3 =	vld [tilespmem:s19+$0xFFFFFFB0];
	[tilespmem:s17+$0xFFFF9AF0] =	vst v4  }
0x13a: {  	v4 =	vld [tilespmem:s19+$0xFFFFFFF0];
	[tilespmem:s17+$0xFFFFFFD0] =	vst v0  }
0x13b: {  	[tilespmem:s17+$0xFFFF9B70] =	vst v1;
	v0 =	vld [tilespmem:s19+$0xD0]  }
0x13c: {  	[tilespmem:s17+$0xFFFF9880] =	vst v5;
	v1 =	vld [tilespmem:s19+$0x30]  }
0x13d: {  	[tilespmem:s17+$0xFFFF9900] =	vst v2;
	v2 =	vld [tilespmem:s19+$0x70]  }
0x13e: {  	[tilespmem:s17+$0xFFFF9980] =	vst v3;
	v3 =	vld [tilespmem:s19+$0xB0]  }
0x13f: {  	v5 =	vld [tilespmem:s19+$0xFFFFFF00];
	[tilespmem:s17+$0xFFFF9A00] =	vst v4  }
0x140: {  	v4 =	vld [tilespmem:s19+$0xFFFFFF40];
	[tilespmem:s17+$0xFFFFFFE0] =	vst v0  }
0x141: {  	[tilespmem:s17+$0xFFFF9A80] =	vst v1;
	v0 =	vld [tilespmem:s19+$0xE0]  }
0x142: {  	v1 =	vld [tilespmem:s19+$0xFFFFFF80];
	[tilespmem:s17+$0xFFFF9B00] =	vst v2  }
0x143: {  	v2 =	vld [tilespmem:s19+$0xFFFFFFC0];
	[tilespmem:s17+$0xFFFF9B80] =	vst v3  }
0x144: {  	[tilespmem:s17+$0xFFFFFC50] =	vst v5;
	v3 =	vld [tilespmem:s19+$0x0]  }
0x145: {  	[tilespmem:s17+$0xFFFFFCD0] =	vst v4;
	v4 =	vld [tilespmem:s19+$0x40]  }
0x146: {  	v5 =	vld [tilespmem:s19+$0x80];
	[tilespmem:s17+$0xFFFFFFF0] =	vst v0  }
0x147: {  	[tilespmem:s17+$0xFFFFFD50] =	vst v1;
	v0 =	vld [tilespmem:s19+$0xF0]  }
0x148: {  	v1 =	vld [tilespmem:s19+$0xFFFFFF10];
	[tilespmem:s17+$0xFFFFFDD0] =	vst v2  }
0x149: {  	v2 =	vld [tilespmem:s19+$0xFFFFFF50];
	[tilespmem:s17+$0xFFFFFE50] =	vst v3  }
0x14a: {  	v3 =	vld [tilespmem:s19+$0xFFFFFF90];
	[tilespmem:s17+$0xFFFFFED0] =	vst v4  }
0x14b: {  	v4 =	vld [tilespmem:s19+$0xFFFFFFD0];
	[tilespmem:s17+$0xFFFFFF50] =	vst v5  }
0x14c: {  	v5 =	vld [tilespmem:s19+$0x10];
	[tilespmem:s17+$0x0] =	vst v0  }
0x14d: {  	[tilespmem:s17+$0xFFFFFC60] =	vst v1;
	v0 =	vld [tilespmem:s19+$0x50]  }
0x14e: {  	[tilespmem:s17+$0xFFFFFCE0] =	vst v2;
	v1 =	vld [tilespmem:s19+$0x90]  }
0x14f: {  	v2 =	vld [tilespmem:s19+$0xFFFFFF20];
	[tilespmem:s17+$0xFFFFFD60] =	vst v3  }
0x150: {  	v3 =	vld [tilespmem:s19+$0xFFFFFF60];
	[tilespmem:s17+$0xFFFFFDE0] =	vst v4  }
0x151: {  	v4 =	vld [tilespmem:s19+$0xFFFFFFA0];
	[tilespmem:s17+$0xFFFFFE60] =	vst v5  }
0x152: {  	v5 =	vld [tilespmem:s19+$0xFFFFFFE0];
	[tilespmem:s17+$0xFFFFFEE0] =	vst v0  }
0x153: {  	v6 =	vld [tilespmem:s19+$0x20];
	[tilespmem:s17+$0xFFFFFF60] =	vst v1  }
0x154: {  	[tilespmem:s17+$0xFFFFFC70] =	vst v2;
	v2 =	vld [tilespmem:s19+$0x60]  }
0x155: {  	[tilespmem:s17+$0xFFFFFCF0] =	vst v3;
	v3 =	vld [tilespmem:s19+$0xA0]  }
0x156: {  	v7 =	vld [tilespmem:s19+$0xFFFFFF30];
	[tilespmem:s17+$0xFFFFFD70] =	vst v4  }
0x157: {  	v4 =	vld [tilespmem:s19+$0xFFFFFF70];
	[tilespmem:s17+$0xFFFFFDF0] =	vst v5  }
.Ltmp4:
0x158: {  	v0 =	vld [tilespmem:s19+$0xFFFFFFB0];
	[tilespmem:s17+$0xFFFFFE70] =	vst v6;
	(pc) =	sbr.rel @p0 .LBB2_11-.Ltmp4, $4  }
0x159: {  	v1 =	vld [tilespmem:s19+$0xFFFFFFF0];
	[tilespmem:s17+$0xFFFFFEF0] =	vst v2  }
0x15a: {  	v2 =	vld [tilespmem:s19+$0x30];
	[tilespmem:s17+$0xFFFFFF70] =	vst v3  }
0x15b: {  	[tilespmem:s17+$0xFFFFFC80] =	vst v7;
	v3 =	vld [tilespmem:s19+$0x70]  }
0x15c: {  	[tilespmem:s17+$0xFFFFFD00] =	vst v4;
	v4 =	vld [tilespmem:s19+$0xB0];
	s19 =	sadd.s32 $0x200, s19  }
0x15d: {  	[tilespmem:s17+$0xFFFFFD80] =	vst v0  }
0x15e: {  	[tilespmem:s17+$0xFFFFFE00] =	vst v1  }
0x15f: {  	[tilespmem:s17+$0xFFFFFE80] =	vst v2  }
0x160: {  	[tilespmem:s17+$0xFFFFFF00] =	vst v3  }
0x161: {  	s18 =	simm.s32 $0xCB20;
	[tilespmem:s17+$0xFFFFFF80] =	vst v4  }
0x162: {  	[tilespmem:s18], [sflag:$0x2] =	stream.indirect.gather.add.f32 [hbm:s5], $0x80, s12, s14, $0xb8;
	[tilespmem:$0x1C520] =	vst v63  }
0x163: {  	s19 =	simm.s32 $0x1B8;
	s18 =	simm.s32 $0xDF20  }
0x164: {  	[tilespmem:s18], [sflag:$0x2] =	stream.indirect.gather.add.f32 [hbm:s5], $0x80, s19, s14, $0xb8;
	[tilespmem:$0x1C520] =	vst v63  }
0x165: {  	s20 =	simm.s32 $0x1E0;
	s21 =	simm.s32 $0xF320  }
0x166: {  	[tilespmem:s21], [sflag:$0x2] =	stream.indirect.gather.add.f32 [hbm:s5], $0x80, s20, s14, $0xb8;
	[tilespmem:$0x1C520] =	vst v63  }
0x167: {  	s22 =	simm.s32 $0x208;
	s23 =	simm.s32 $0x10720  }
0x168: {  	[tilespmem:s23], [sflag:$0x2] =	stream.indirect.gather.add.f32 [hbm:s5], $0x80, s22, s14, $0xb8;
	[tilespmem:$0x1C520] =	vst v63  }
0x169: {  	s19 =	simm.s32 $0x230;
	s20 =	simm.s32 $0x11B20  }
0x16a: {  	[tilespmem:s20], [sflag:$0x2] =	stream.indirect.gather.add.f32 [hbm:s5], $0x80, s19, s14, $0xb8;
	[tilespmem:$0x1C520] =	vst v63  }
0x16b: {  	s21 =	simm.s32 $0x258;
	s22 =	simm.s32 $0x12F20  }
0x16c: {  	[tilespmem:s22], [sflag:$0x2] =	stream.indirect.gather.add.f32 [hbm:s5], $0x80, s21, s14, $0xb8;
	[tilespmem:$0x1C520] =	vst v63  }
0x16d: {  	_ = 	snop  }
0x16e: {  	[tilespmem:s25], [sflag:$0x2] =	stream.indirect.gather.add.f32 [hbm:s5], $0x80, s24, s14, $0xb8;
	[tilespmem:$0x1C520] =	vst v63  }
0x16f: {  	_ = 	snop  }
0x170: {  	[tilespmem:s28], [sflag:$0x2] =	stream.indirect.gather.add.f32 [hbm:s5], $0x80, s26, s14, $0xb8;
	[tilespmem:$0x1C520] =	vst v63  }
0x171: {  	_ = 	snop  }
0x172: {  	[tilespmem:s30], [sflag:$0x2] =	stream.indirect.gather.add.f32 [hbm:s5], $0x80, s29, s14, $0xb8;
	[tilespmem:$0x1C520] =	vst v63  }
0x173: {  	s23 =	smul.u32 $0xC80, s16  }
0x174: {  	[tilespmem:s1], [sflag:$0x2] =	stream.indirect.gather.add.f32 [hbm:s5], $0x80, s31, s14, $0xb8;
	[tilespmem:$0x1C520] =	vst v63  }
0x175: {  	s18 =	simm.s32 $0x320;
	_ =	swait.ge [sflag:s0], $0xC800  }
0x176: {  	s17 =	sadd.s32 s6, s23;
	s19 =	simm.s32 $0x10;
	[sflag:s0] =	ssyncset.done $0x0  }
0x177: {  	s20 =	simm.s32 $0x3A0;
	s21 =	sadd.s32 $0x0, s17;
	[sflag:s0] =	ssyncadd.s32 $0xFFFF3800  }
.LBB2_13:
0x178: {  	[hbm4b:s21+s3] =	stream.linear.scatter [tilespmem:s18], [sflag:$0x3], $0x40, $0x38;
	[tilespmem:$0x1C520] =	vst v63  }
0x179: {  	s21 =	smov.u32 s19;
	s18 =	smov.u32 s20;
	p0 =	sne.s32 s19, $0xC70  }
.Ltmp5:
0x17a: {  	s19 =	sadd.s32 $0x10, s19;
	(pc) =	sbr.rel @p0 .LBB2_13-.Ltmp5, $2  }
0x17b: {  	_ =	sdelay $0x2  }
0x17c: {  	s20 =	sadd.s32 $0x80, s20;
	s21 =	sadd.s32 s21, s17  }
0x17d: {  	s16 =	smul.u32 $0x6400, s16  }
0x17e: {  	[hbm4b:s21+s3] =	stream.linear.scatter [tilespmem:s18], [sflag:$0x3], $0x40, $0x38;
	[tilespmem:$0x1C520] =	vst v63  }
0x17f: {  	s16 =	sshrl.u32 s16, $0x3  }
0x180: {  	s16 =	sadd.s32 s6, s16  }
0x181: {  	s17 =	simm.s32 $0x6720;
	s16 =	sadd.s32 $0xC80, s16  }
0x182: {  	s18 =	simm.s32 $0x10;
	s19 =	simm.s32 $0x67A0;
	s20 =	sadd.s32 $0x0, s16  }
.LBB2_15:
0x183: {  	[hbm4b:s20+s3] =	stream.linear.scatter [tilespmem:s17], [sflag:$0x3], $0x40, $0x38;
	[tilespmem:$0x1C520] =	vst v63  }
0x184: {  	s20 =	smov.u32 s18;
	s17 =	smov.u32 s19;
	p0 =	sne.s32 s18, $0xC70  }
.Ltmp6:
0x185: {  	s18 =	sadd.s32 $0x10, s18;
	(pc) =	sbr.rel @p0 .LBB2_15-.Ltmp6, $2  }
0x186: {  	_ =	sdelay $0x2  }
0x187: {  	s19 =	sadd.s32 $0x80, s19;
	s20 =	sadd.s32 s20, s16  }
0x188: {  	s15 =	sadd.s32 $0x1, s15  }
0x189: {  	p0 =	sne.s32 s15, $0x20  }
.Ltmp7:
0x18a: {  	_ = 	snop;
	(pc) =	sbr.rel @p0 .LBB2_2-.Ltmp7, $2  }
0x18b: {  	_ =	sdelay $0x2  }
0x18c: {  	[hbm4b:s20+s3] =	stream.linear.scatter [tilespmem:s17], [sflag:$0x3], $0x40, $0x38;
	[tilespmem:$0x1C520] =	vst v63  }
0x18d: {  	_ =	swait.ge [sflag:s7], $0xC800  }
0x18e: {  	s15 =	simm.s32 $0xCB20;
	s16 =	simm.s32 $0x10;
	[sflag:s7] =	ssyncset.done $0x0  }
0x18f: {  	s18 =	sadd.s32 $0x0, s9;
	s17 =	simm.s32 $0xCBA0;
	[sflag:s7] =	ssyncadd.s32 $0xFFFF3800  }
.LBB2_18:
0x190: {  	[hbm4b:s18+s3] =	stream.linear.scatter [tilespmem:s15], [sflag:$0x4], $0x40, $0x38;
	[tilespmem:$0x1C520] =	vst v63  }
0x191: {  	s18 =	smov.u32 s16;
	s15 =	smov.u32 s17;
	p0 =	sne.s32 s16, $0xC70  }
.Ltmp8:
0x192: {  	s16 =	sadd.s32 $0x10, s16;
	(pc) =	sbr.rel @p0 .LBB2_18-.Ltmp8, $2  }
0x193: {  	_ =	sdelay $0x2  }
0x194: {  	s17 =	sadd.s32 $0x80, s17;
	s18 =	sadd.s32 s18, s9  }
0x195: {  	[hbm4b:s18+s3] =	stream.linear.scatter [tilespmem:s15], [sflag:$0x4], $0x40, $0x38;
	[tilespmem:$0x1C520] =	vst v63  }
0x196: {  	s15 =	simm.s32 $0x12F20  }
0x197: {  	s16 =	simm.s32 $0x10;
	s18 =	sadd.s32 $0x0, s10;
	s17 =	simm.s32 $0x12FA0  }
.LBB2_20:
0x198: {  	[hbm4b:s18+s3] =	stream.linear.scatter [tilespmem:s15], [sflag:$0x4], $0x40, $0x38;
	[tilespmem:$0x1C520] =	vst v63  }
0x199: {  	s18 =	smov.u32 s16;
	s15 =	smov.u32 s17;
	p0 =	sne.s32 s16, $0xC70  }
.Ltmp9:
0x19a: {  	s16 =	sadd.s32 $0x10, s16;
	(pc) =	sbr.rel @p0 .LBB2_20-.Ltmp9, $2  }
0x19b: {  	_ =	sdelay $0x2  }
0x19c: {  	s17 =	sadd.s32 $0x80, s17;
	s18 =	sadd.s32 s18, s10  }
0x19d: {  	[hbm4b:s18+s3] =	stream.linear.scatter [tilespmem:s15], [sflag:$0x4], $0x40, $0x38;
	[tilespmem:$0x1C520] =	vst v63  }
0x19e: {  	s22 =	simm.s32 $0x3  }
0x19f: {  	_ =	swait.ge [sflag:s22], $0x3200  }
0x1a0: {  	[sflag:s22] =	ssyncset.done $0x0  }
0x1a1: {  	[sflag:s22] =	ssyncadd.s32 $0xFFFFCE00  }
0x1a2: {  	_ =	swait.ge [sflag:s22], $0x3200  }
0x1a3: {  	[sflag:s22] =	ssyncset.done $0x0  }
0x1a4: {  	[sflag:s22] =	ssyncadd.s32 $0xFFFFCE00  }
0x1a5: {  	_ =	swait.ge [sflag:s11], $0x3200  }
0x1a6: {  	[sflag:s11] =	ssyncset.done $0x0  }
0x1a7: {  	[sflag:s11] =	ssyncadd.s32 $0xFFFFCE00  }
0x1a8: {  	_ =	swait.ge [sflag:s11], $0x3200  }
0x1a9: {  	s16 =	rddreg [dreg:$0x5]  }
0x1aa: {  	s23 =	rddreg [dreg:$0x4];
	s16 =	sadd.s32 $0x1, s16  }
0x1ab: {  	p0 =	sne.s32 s16, s23  }
.Ltmp10:
0x1ac: {  	_ = 	snop;
	(pc) =	sbr.rel @p0 .LBB2_1-.Ltmp10, $3  }
0x1ad: {  	_ =	sdelay $0x1  }
0x1ae: {  	[sflag:s11] =	ssyncset.done $0x0  }
0x1af: {  	[sflag:s11] =	ssyncadd.s32 $0xFFFFCE00  }
0x1b0: {  	_ =	sfence.sel $0x180000  }
0x1b1: {  	[bflag:$0x0] =	sbarrier.arrive $0xFFFF  }
0x1b2: {  	_ =	strace $0x90000047  }
0x1b3: {  	s0 =	stileid.u32;
	[bflag:$0x2] =	sbarrier.arrive $0xFFFF  }
0x1b4: {  	p0 =	sne.s32 s0, $0x0;
	s0 =	rddreg [dreg:$0x2]  }
0x1b5: {  	s0 =	sadd.s32 @!p0 $0x100000, s0  }
0x1b6: {  	[sflag:s0] =	ssyncadd.tile.s32 @!p0 $0x1;
	_ =	shalt  }
.Lfunc_end2:
_tile_overlayer_lowered:
.L_overlay_start_2:
0x1b7: {  	(tag) =	ssettag $0x2  }
0x1b8: {  	s0 =	rddreg [dreg:$0x0];
	s2 =	stileid.u32  }
0x1b9: {  	s1 =	rddreg [dreg:$0x1];
	p0 =	sne.s32 s2, $0x0  }
0x1ba: {  	s3 =	rddreg [dreg:$0x2];
	[bflag:$0x3] =	sbarrier.arrive $0xFFFF;
	s2 =	simm.s32 @!p0 $0x1C05  }
0x1bb: {  	[timem:s3], [sflag:s2] =	dma.local @!p0 [hbm:s0], s1  }
0x1bc: {  	s0 =	simm.s32 @!p0 $0x5  }
0x1bd: {  	_ =	swait.ge @!p0 [sflag:s0], s1  }
0x1be: {  	s1 =	ssub.s32 @!p0 $0x0, s1;
	[sflag:s0] =	ssyncset.done @!p0 $0x0  }
0x1bf: {  	[sflag:s0] =	ssyncadd.s32 @!p0 s1  }
0x1c0: {  	[bflag:$0x3] =	sbarrier.arrive $0xFFFF  }
0x1c1: {  	_ =	shalt  }

// kernel: sparse-core-data-format-call.cloned.1.call-start
scs
called_computation_lowered:
.L_overlay_start_0:
0x0: {  	s2 =	sld [smem:$0x3FD9]  }
0x1: {  	s3 =	sld [smem:$0x3FFE];
	_ =	sdelay $0x1  }
0x2: {  	s1 =	srdreg.scid  }
0x3: {  	s0 =	sand.u32 $0x1, s1  }
0x4: {  	s18 =	sshll.u32 s0, $0xA;
	s2 =	sadd.s32 s3, s2  }
0x5: {  	s2 =	sadd.s32 s2, s18  }
0x6: {  	[smem:$0x3FC5] =	sst s2  }
0x7: {  	_ = 	snop  }
0x8: {  	s2 =	sld [smem:$0x3FD0];
	(tm) =	ssettm $0x1  }
0x9: {  	s19 =	sld [smem:$0x3FFB];
	_ =	sdelay $0x3  }
0xa: {  	_ =	strace s19  }
0xb: {  	s3 =	sld [smem:$0x3FFC];
	_ =	sdelay $0x3  }
0xc: {  	_ =	strace s3  }
0xd: {  	s3 =	sld [smem:$0x3FFD];
	_ =	sdelay $0x3  }
0xe: {  	_ =	strace s3  }
0xf: {  	_ =	strace $0x8FFFFFFF  }
0x10: {  	s20 =	sld [smem:$0x3FDB];
	_ =	sdelay $0x1  }
0x11: {  	s4 =	simm.s32 $_scs_section_size  }
0x12: {  	s5 =	simm.s32 $_size__tile_overlayer_lowered;
	s6 =	simm.s32 $_tile_overlayer_lowered  }
0x13: {  	s23 =	simm.s32 $0x1BFF;
	s22 =	sshll.u32 s6, $0x1;
	s3 =	sadd.s32 s4, s20  }
0x14: {  	s7 =	simm.s32 $0x0;
	s21 =	sshll.u32 s5, $0x1;
	s5 =	sadd.s32 s22, s3  }
0x15: {  	[timem:s7], [sflag:s23] =	dma.local [hbm:s5], s21  }
0x16: {  	_ =	swait.ge [sflag:s23], s21  }
0x17: {  	s4 =	ssub.s32 $0x0, s21;
	[sflag:s23] =	ssyncset.done $0x0  }
0x18: {  	[sflag:s23] =	ssyncadd.s32 s4;
	_ =	sdelay $0x1  }
0x19: {  	s24 =	simm.s32 $0x1B8B  }
0x1a: {  	_ =	swait.ge [sflag:s24], $0x1  }
0x1b: {  	[sflag:s24] =	ssyncset.done $0x0  }
0x1c: {  	s26 =	simm.s32 $0x1B8E;
	s25 =	sld [smem:$0x3FFE];
	[sflag:s24] =	ssyncadd.s32 $0xFFFFFFFF  }
0x1d: {  	s27 =	simm.s32 $execute0_lowered;
	[smem:$0x3FD2] =	sst s26  }
0x1e: {  	s5 =	sshll.u32 s27, $0x1;
	_ =	strace $0x80000049;
	[dreg:$0x1] =	wrdreg $0xFFFFFFFF  }
0x1f: {  	s28 =	simm.s32 $_size_execute0_lowered;
	s3 =	sadd.s32 s3, s5;
	[dreg:$0x0] =	wrdreg $0x0  }
0x20: {  	s5 =	sshll.u32 s28, $0x1;
	[dreg:$0x2] =	wrdreg s3  }
0x21: {  	[dreg:$0x3] =	wrdreg s5  }
0x22: {  	[dreg:$0x4] =	wrdreg $0xC0  }
0x23: {  	_ =	task [dreg:s7], $0x5FFFF  }
0x24: {  	[dreg:$0x1] =	wrdreg $0xFFFFFFFF  }
0x25: {  	[dreg:$0x0] =	wrdreg $0x60  }
0x26: {  	[dreg:$0x2] =	wrdreg s25  }
0x27: {  	[dreg:$0x3] =	wrdreg s2  }
0x28: {  	[dreg:$0x4] =	wrdreg $0x9  }
0x29: {  	_ =	task.clear_ibuf [dreg:s7], $0x5FFFF;
	_ =	strace $0x90000049  }
0x2a: {  	s29 =	simm.s32 $0x9;
	_ =	strace $0x8000004B  }
0x2b: {  	_ =	swait.ge [sflag:s29], $0x1  }
0x2c: {  	[sflag:s29] =	ssyncadd.s32 $0xFFFFFFFF  }
0x2d: {  	_ =	strace $0x9000004B  }
0x2e: {  	_ =	sfence  }
0x2f: {  	s30 =	sld [smem:$0x0];
	_ =	sdelay $0x2  }
0x30: {  	s31 =	sshll.u32 s1, $0xD;
	s1 =	sshrl.u32 s1, $0x2  }
0x31: {  	s3 =	sand.u32 $0x4000, s31;
	s1 =	sadd.s32 s1, s30  }
0x32: {  	s0 =	sor.u32 s3, s0;
	s1 =	sshll.u32 s1, $0x11  }
0x33: {  	s0 =	sor.u32 s1, s0  }
0x34: {  	s0 =	sadd.s32 $0x8F2B, s0  }
0x35: {  	[sflag:s0] =	ssyncadd.remote.s32 $0x1  }
0x36: {  	_ =	sfence.sel $0xFFFF  }
0x37: {  	[dreg:$0x0] =	wrdreg $0xFFFFFFFF;
	(pc) =	sbr.abs _section_cstart, $3  }
0x38: {  	[dreg:$0x1] =	wrdreg $0xFFFFFFFF  }
0x39: {  	_ =	task.clear_ibuf [dreg:s7], $0x2FFFF;
	_ =	strace $0x9FFFFFFF  }
0x3a: {  	(tm) =	ssettm $0x7FFFFFFF  }
0x3b: {  	_ =	shalt  }
tec
execute0_lowered:
.L_overlay_start_1:
0x0: {  	(tag) =	ssettag $0x1  }
0x1: {  	s0 =	srdreg.scid  }
0x2: {  	s1 =	sshll.u32 s0, $0x4  }
0x3: {  	s0 =	stileid.u32;
	s1 =	sand.u32 $0x10, s1  }
0x4: {  	s1 =	sor.u32 s0, s1  }
0x5: {  	s6 =	rddreg [dreg:$0x0];
	s4 =	simm.s32 $0x1;
	s2 =	sshll.u32 s1, $0x7  }
0x6: {  	s7 =	simm.s32 $0x2;
	s12 =	simm.s32 $0x0;
	s1 =	ssub.s32 $0x1000, s2  }
0x7: {  	s8 =	simm.s32 $0x8000;
	s13 =	simm.s32 $0x0;
	s3 =	sand.u32 $0xF80, s1  }
0x8: {  	s9 =	simm.s32 $0x0;
	s5 =	sshrl.u32 s1, $0xC;
	p0 =	sne.s32 s3, $0x0  }
.Ltmp0:
0x9: {  	s1 =	rddreg [dreg:$0x2];
	s4 =	simm.s32 @!p0 $0x0;
	(pc) =	sbr.rel .LBB1_1-.Ltmp0, $4  }
0xa: {  	s11 =	simm.s32 $0x0;
	s3 =	rddreg [dreg:$0x1];
	s5 =	sadd.s32 s4, s5  }
0xb: {  	_ =	strace $0x8000004A;
	s4 =	simm.s32 $0x1;
	s5 =	smul.u32 $0xC8, s5  }
0xc: {  	s6 =	sadd.s32 $0xC00, s6;
	s10 =	smov.u32 s2;
	[sflag:s4] =	ssyncpa.u1 $0x0  }
0xd: {  	p0 =	por $0x0, $0x0;
	[sflag:s7] =	ssyncpa.u1 $0x0;
	s7 =	sor.u32 $0x1, s5  }
.LBB1_4:
0xe: {  	s16 =	sshll.u32 s13, $0x3;
	s17 =	sand.u32 $0x78, s13  }
0xf: {  	s30 =	sand.u32 $0x7E00, s13;
	s12 =	sshll.u32 s12, $0xF;
	s16 =	sand.u32 $0xC00, s16  }
0x10: {  	[tilespmem:s15+$0x810 ss:$0x81] =	vst.msk $0xffff, v2;
	s31 =	sand.u32 $0x7, s13;
	s16 =	sor.u32 s17, s16;
	s17 =	sadd.s32 s3, s30  }
0x11: {  	[tilespmem:s15+$0x1020 ss:$0x81] =	vst.msk $0xffff, v0;
	s13 =	sshll.u32 s31, $0x12;
	s12 =	sadd.s32 s12, s17;
	s16 =	sshrl.u32 s16, $0x3  }
0x12: {  	[tilespmem:s15+$0x0 ss:$0x81] =	vst.msk $0xffff, v1;
	s13 =	sor.u32 $0x400, s13;
	s12 =	sadd.s32 s16, s12  }
0x13: {  	[hbm4b:s12+s13] =	stream.strided.scatter [tilespmem:s14], [sflag:$0x2], $0x2000, s8, s13, $0x20;
	[tilespmem:$0x8080] =	vst v63  }
.LBB1_5:
0x14: {  	s14 =	sadd.s32 $0x1, s9  }
0x15: {  	s12 =	sadd.s32 $0x1000, s10;
	s16 =	smov.u32 s10;
	p2 =	sgt.s32 s14, $0xC7  }
0x16: {  	s16 =	smov.u32 @p2 s12  }
0x17: {  	s14 =	simm.s32 @p2 $0x0;
	p2 =	sgt.s32 s16, $0xFFF  }
0x18: {  	s16 =	smov.u32 @p2 s2;
	p2 =	sne.s32 s11, s7  }
.Ltmp1:
0x19: {  	p1 =	slt.u32 s11, $0x2;
	(pc) =	sbr.rel @!p2 .LBB1_6-.Ltmp1, $4  }
0x1a: {  	s15 =	simm.s32 @!p1 $0x2  }
0x1b: {  	s13 =	smov.u32 s10;
	p0 =	por !p0, !p0;
	_ =	swait.ge @!p1 [sflag:s15], $0x2000  }
0x1c: {  	s12 =	smov.u32 s9;
	[sflag:s15] =	ssyncset.done @!p1 $0x0;
	s9 =	smov.u32 s14  }
0x1d: {  	s11 =	sadd.s32 $0x1, s11;
	[sflag:s15] =	ssyncadd.s32 @!p1 $0xFFFFE000;
	s10 =	smov.u32 s16  }
.LBB1_1:
0x1e: {  	p1 =	sge.u32 s11, s5  }
0x1f: {  	s14 =	sand.u32 @!p1 $0x1FFFFFF, s9  }
0x20: {  	s15 =	smulhi.u32 @!p1 $0x147AE15, s14;
	_ =	sdelay $0x1  }
0x21: {  	s15 =	smul.u32 @!p1 $0xC8, s15  }
0x22: {  	s16 =	sxor.u32 @!p1 $0xFFFFFFFF, s11;
	s17 =	smul.u32 @!p1 $0xC80, s10  }
0x23: {  	s31 =	sadd.s32 $0xFFFFFFFF, s11;
	s16 =	sshll.u32 @!p1 s16, $0xD;
	s14 =	ssub.s32 @!p1 s14, s15  }
0x24: {  	s15 =	sand.u32 @!p1 $0x2000, s16;
	s16 =	sadd.s32 @!p1 s6, s17;
	s14 =	sshll.u32 @!p1 s14, $0x4  }
0x25: {  	s17 =	simm.s32 @!p1 $0x6400;
	s14 =	sadd.s32 @!p1 s14, s16;
	s16 =	simm.s32 @!p1 $0x40  }
0x26: {  	[tilespmem:s15], [sflag:$0x1] =	stream.strided.gather @!p1 [hbm4b:s14+s16], $0x2000, s17, s16, $0x38;
	[tilespmem:$0x8080] =	vst v63  }
0x27: {  	p1 =	sge.u32 s31, s5  }
.Ltmp2:
0x28: {  	_ = 	snop;
	(pc) =	sbr.rel @p1 .LBB1_5-.Ltmp2, $1  }
0x29: {  	_ =	sdelay $0x3  }
0x2a: {  	s14 =	simm.s32 $0x1  }
0x2b: {  	_ =	swait.ge [sflag:s4], $0x2000;
	s14 =	simm.s32 @!p0 $0x0  }
0x2c: {  	[sflag:s4] =	ssyncset.done $0x0;
	s15 =	sshll.u32 s14, $0xD  }
0x2d: {  	[sflag:s4] =	ssyncadd.s32 $0xFFFFE000;
	s18 =	sor.u32 $0x20, s15  }
0x2e: {  	s14 =	smul.u32 $0x8100, s14;
	v3 =	vld [tilespmem:s18+$0x10]  }
0x2f: {  	s30 =	sand.u32 $0x1, s11;
	v2 =	vld [tilespmem:s18+$0xFFFFFFF0]  }
0x30: {  	s15 =	smul.u32 $0x8100, s30;
	s14 =	sshrl.u32 s14, $0x2;
	v0 =	vld [tilespmem:s18+$0x0]  }
0x31: {  	v1 =	vld [tilespmem:s18+$0xFFFFFFE0];
	s16 =	sor.u32 $0x4000, s14  }
0x32: {  	s31 =	sshrl.u32 s15, $0x2;
	s15 =	sadd.s32 $0x0, s16  }
0x33: {  	s17 =	simm.s32 $0x4;
	s18 =	sadd.s32 $0x40, s18;
	s14 =	sor.u32 $0x4000, s31;
	[tilespmem:s15+$0x1830 ss:$0x81] =	vst.msk $0xffff, v3  }
.LBB1_3:
0x34: {  	v3 =	vld [tilespmem:s18+$0x10];
	p1 =	sne.s32 s17, $0x1FC;
	[tilespmem:s15+$0x810 ss:$0x81] =	vst.msk $0xffff, v2;
	s19 =	smov.u32 s17;
	s17 =	sadd.s32 $0x4, s17  }
.Ltmp3:
0x35: {  	v2 =	vld [tilespmem:s18+$0xFFFFFFF0];
	[tilespmem:s15+$0x1020 ss:$0x81] =	vst.msk $0xffff, v0;
	(pc) =	sbr.rel @p1 .LBB1_3-.Ltmp3, $4  }
0x36: {  	v0 =	vld [tilespmem:s18+$0x0];
	[tilespmem:s15+$0x0 ss:$0x81] =	vst.msk $0xffff, v1  }
0x37: {  	s15 =	sshra.s32 s19, $0x2;
	v1 =	vld [tilespmem:s18+$0xFFFFFFE0]  }
0x38: {  	s15 =	sadd.s32 s15, s16  }
0x39: {  	s18 =	sadd.s32 $0x40, s18;
	[tilespmem:s15+$0x1830 ss:$0x81] =	vst.msk $0xffff, v3  }
.Ltmp4:
0x3a: {  	_ = 	snop;
	(pc) =	sbr.rel .LBB1_4-.Ltmp4, $1  }
0x3b: {  	_ =	sdelay $0x3  }
.LBB1_6:
0x3c: {  	_ =	sfence.sel $0x180000  }
0x3d: {  	s2 =	simm.s32 $0x1;
	[bflag:$0x0] =	sbarrier.arrive $0xFFFF  }
0x3e: {  	s31 =	simm.s32 $0x2;
	[sflag:s2] =	ssyncpa.u1 $0x1  }
0x3f: {  	[sflag:s31] =	ssyncpa.u1 $0x1  }
0x40: {  	p0 =	sne.s32 s0, $0x0;
	_ =	strace $0x9000004A  }
0x41: {  	s0 =	sadd.s32 @!p0 $0x100000, s1;
	[bflag:$0x2] =	sbarrier.arrive $0xFFFF  }
0x42: {  	[sflag:s0] =	ssyncadd.tile.s32 @!p0 $0x1;
	_ =	shalt  }
.Lfunc_end1:
_tile_overlayer_lowered:
.L_overlay_start_2:
0x43: {  	(tag) =	ssettag $0x2  }
0x44: {  	s0 =	rddreg [dreg:$0x0];
	s2 =	stileid.u32  }
0x45: {  	s1 =	rddreg [dreg:$0x1];
	p0 =	sne.s32 s2, $0x0  }
0x46: {  	s3 =	rddreg [dreg:$0x2];
	[bflag:$0x3] =	sbarrier.arrive $0xFFFF;
	s2 =	simm.s32 @!p0 $0x1C01  }
0x47: {  	[timem:s3], [sflag:s2] =	dma.local @!p0 [hbm:s0], s1  }
0x48: {  	s0 =	simm.s32 @!p0 $0x1  }
0x49: {  	_ =	swait.ge @!p0 [sflag:s0], s1  }
0x4a: {  	s1 =	ssub.s32 @!p0 $0x0, s1;
	[sflag:s0] =	ssyncset.done @!p0 $0x0  }
0x4b: {  	[sflag:s0] =	ssyncadd.s32 @!p0 s1  }
0x4c: {  	[bflag:$0x3] =	sbarrier.arrive $0xFFFF  }
0x4d: {  	_ =	shalt  }

</sc_bundles>
